<compile_context>
chip_gen: v7x
topology: tpu7x:2x2x1
jax: 0.10.2.dev20260603
libtpu: 0.0.44.dev20260713+nightly
codegen_flags: <defaults>
</compile_context>

<pallas_src>
import functools

import jax
import jax.numpy as jnp
from jax import lax
from jax.experimental import pallas as pl
from jax.experimental.pallas import tpu as pltpu
from jax.experimental.pallas import tpu_sc as plsc

N = 10000
D = 128
E = 320000

NW = 32
EPB = 128
CPT = 80
NCH = NW * CPT
EPAD = NCH * EPB
NROWS = 10112
RPT = NROWS // 16
NDEG = 10240
DPT = NDEG // 16

_mesh = plsc.VectorSubcoreMesh(core_axis_name="c", subcore_axis_name="s")


@functools.partial(
    pl.kernel,
    mesh=_mesh,
    out_type=jax.ShapeDtypeStruct((2 * NDEG,), jnp.float32),
    scratch_types=[
        pltpu.VMEM((NCH // NW, EPB), jnp.int32),
        pltpu.VMEM((EPB,), jnp.float32),
        pltpu.VMEM((DPT,), jnp.float32),
        pltpu.VMEM_SHARED((NDEG,), jnp.float32),
    ],
)
def _sc_deg(dst_hbm, out_hbm, idx_v, ones_v, zb_v, deg_sh):
    c = lax.axis_index("c")
    s = lax.axis_index("s")
    wid = c * 16 + s

    for i in range(EPB // 16):
        ones_v[pl.ds(i * 16, 16)] = jnp.ones((16,), jnp.float32)
    for i in range(DPT // 16):
        zb_v[pl.ds(i * 16, 16)] = jnp.zeros((16,), jnp.float32)
    pltpu.sync_copy(zb_v, deg_sh.at[pl.ds(s * DPT, DPT)])
    plsc.subcore_barrier()
    pltpu.sync_copy(dst_hbm.at[pl.ds(wid * CPT, CPT)], idx_v)

    def body(j, carry):
        pltpu.sync_copy(ones_v, deg_sh.at[idx_v.at[j]], add=True)
        return carry

    lax.fori_loop(0, CPT, body, 0)
    plsc.subcore_barrier()
    pltpu.sync_copy(deg_sh.at[pl.ds(s * DPT, DPT)],
                    out_hbm.at[pl.ds(c * NDEG + s * DPT, DPT)])


@functools.partial(
    pl.kernel,
    mesh=_mesh,
    out_type=jax.ShapeDtypeStruct((2, NROWS, D), jnp.float32),
    scratch_types=[
        pltpu.VMEM((CPT // 2, EPB), jnp.int32),
        pltpu.VMEM((CPT // 2, EPB), jnp.int32),
        pltpu.VMEM((EPB, D), jnp.float32),
        pltpu.VMEM((EPB, D), jnp.float32),
        pltpu.VMEM_SHARED((NROWS, D), jnp.float32),
        pltpu.SemaphoreType.DMA,
        pltpu.SemaphoreType.DMA,
        pltpu.SemaphoreType.DMA,
        pltpu.SemaphoreType.DMA,
    ],
)
def _sc_spmm(g_hbm, src_hbm, dst_hbm, out_hbm, si_v, di_v, rows_v, buf_b,
             acc_sh, sem, sem_b, sem_sa, sem_sb):
    c = lax.axis_index("c")
    s = lax.axis_index("s")
    wid = c * 16 + s

    def zrow(j, carry):
        for i in range(D // 16):
            rows_v[j, pl.ds(i * 16, 16)] = jnp.zeros((16,), jnp.float32)
        return carry

    lax.fori_loop(0, EPB, zrow, 0)
    for b in range(4):
        pltpu.sync_copy(rows_v, acc_sh.at[pl.ds(s * RPT + b * EPB, EPB)])
    pltpu.sync_copy(rows_v.at[pl.ds(0, RPT - 4 * EPB)],
                    acc_sh.at[pl.ds(s * RPT + 4 * EPB, RPT - 4 * EPB)])
    plsc.subcore_barrier()
    H = CPT // 2
    for half in range(2):
        pltpu.sync_copy(src_hbm.at[pl.ds(wid * CPT + half * H, H)], si_v)
        pltpu.sync_copy(dst_hbm.at[pl.ds(wid * CPT + half * H, H)], di_v)
        pltpu.async_copy(g_hbm.at[di_v.at[0]], rows_v, sem).wait()
        pltpu.async_copy(rows_v, acc_sh.at[si_v.at[0]], sem_sa, add=True)
        pltpu.async_copy(g_hbm.at[di_v.at[1]], buf_b, sem_b).wait()
        pltpu.async_copy(buf_b, acc_sh.at[si_v.at[1]], sem_sb, add=True)

        def body(i, carry):
            j = 2 * i + 2
            pltpu.make_async_copy(
                rows_v, acc_sh.at[si_v.at[j - 2]], sem_sa).wait()
            pltpu.async_copy(g_hbm.at[di_v.at[j]], rows_v, sem).wait()
            pltpu.async_copy(rows_v, acc_sh.at[si_v.at[j]], sem_sa, add=True)
            pltpu.make_async_copy(
                buf_b, acc_sh.at[si_v.at[j - 1]], sem_sb).wait()
            pltpu.async_copy(g_hbm.at[di_v.at[j + 1]], buf_b, sem_b).wait()
            pltpu.async_copy(
                buf_b, acc_sh.at[si_v.at[j + 1]], sem_sb, add=True)
            return carry

        lax.fori_loop(0, H // 2 - 1, body, 0)
        pltpu.make_async_copy(
            rows_v, acc_sh.at[si_v.at[H - 2]], sem_sa).wait()
        pltpu.make_async_copy(
            buf_b, acc_sh.at[si_v.at[H - 1]], sem_sb).wait()
    plsc.subcore_barrier()
    pltpu.sync_copy(acc_sh.at[pl.ds(s * RPT, RPT)],
                    out_hbm.at[c, pl.ds(s * RPT, RPT)])


_RB = 2528


def _tc_g_body(h_ref, d0_ref, d1_ref, g_ref, dis_ref):
    dis = lax.rsqrt(d0_ref[...] + d1_ref[...] + 1.0)
    g_ref[...] = h_ref[...] * dis
    dis_ref[...] = dis


def _tc_g(h_pad, d0, d1):
    grid = (NROWS // _RB,)
    return pl.pallas_call(
        _tc_g_body,
        grid=grid,
        in_specs=[
            pl.BlockSpec((_RB, D), lambda i: (i, 0)),
            pl.BlockSpec((_RB, 1), lambda i: (i, 0)),
            pl.BlockSpec((_RB, 1), lambda i: (i, 0)),
        ],
        out_specs=[
            pl.BlockSpec((_RB, D), lambda i: (i, 0)),
            pl.BlockSpec((_RB, 1), lambda i: (i, 0)),
        ],
        out_shape=[
            jax.ShapeDtypeStruct((NROWS, D), jnp.float32),
            jax.ShapeDtypeStruct((NROWS, 1), jnp.float32),
        ],
    )(h_pad, d0, d1)


def _tc_final_body(h_ref, g_ref, acc_ref, dis_ref, c1_ref, c2_ref, o_ref):
    accsum = acc_ref[0] + acc_ref[1]
    a = dis_ref[...] * (accsum + g_ref[...])
    o_ref[...] = h_ref[...] * c1_ref[...] + a * c2_ref[...]


def _tc_final(h_pad, g_pad, acc, dis_col, c1, c2):
    rb = N // 5
    return pl.pallas_call(
        _tc_final_body,
        grid=(5,),
        in_specs=[
            pl.BlockSpec((rb, D), lambda i: (i, 0)),
            pl.BlockSpec((rb, D), lambda i: (i, 0)),
            pl.BlockSpec((2, rb, D), lambda i: (0, i, 0)),
            pl.BlockSpec((rb, 1), lambda i: (i, 0)),
            pl.BlockSpec((1, D), lambda i: (0, 0)),
            pl.BlockSpec((1, D), lambda i: (0, 0)),
        ],
        out_specs=pl.BlockSpec((rb, D), lambda i: (i, 0)),
        out_shape=jax.ShapeDtypeStruct((N, D), jnp.float32),
    )(h_pad, g_pad, acc, dis_col, c1, c2)


def kernel(h, edge_index, k_cross_channel, K_channel_wise):
    src = edge_index[0].astype(jnp.int32)
    dst = edge_index[1].astype(jnp.int32)
    pad = N + jnp.arange(EPAD - E, dtype=jnp.int32) % (NROWS - N)
    srcp = jnp.concatenate([src, pad]).reshape(NCH, EPB)
    dstp = jnp.concatenate([dst, pad]).reshape(NCH, EPB)
    h_pad = jnp.pad(h, ((0, NROWS - N), (0, 0)))

    deg_flat = _sc_deg(dstp)
    d0 = deg_flat[:NROWS, None]
    d1 = deg_flat[NDEG:NDEG + NROWS, None]
    g_pad, dis_col = _tc_g(h_pad, d0, d1)
    acc = _sc_spmm(g_pad, srcp, dstp)

    k = k_cross_channel[0]
    c1 = (2.0 - k - K_channel_wise) * 0.5
    c2 = (k + K_channel_wise) * 0.5
    return _tc_final(h_pad, g_pad, acc, dis_col, c1, c2)

# --- scband reference (transcript-rebuilt; emitter-appended) ---
"""Pipeline reference for scband-rhoencoder-49469433316012 (READ-ONLY COPY).

The authoritative reference and input builder live on the scoring server;
editing this copy changes nothing except your own understanding.
"""

import jax, jax.numpy as jnp
import numpy as np

N_NODES = 10000
D_FEAT = 128
N_EDGES = 320000


def setup_inputs(seed: int = 0) -> dict:
    key = jax.random.key(seed)
    k1, k2, k3, k4 = jax.random.split(key, 4)
    h = jax.random.normal(k1, (N_NODES, D_FEAT), dtype=jnp.float32)
    edge_index = jax.random.randint(k2, (2, N_EDGES), 0, N_NODES, dtype=jnp.int64)
    # AdaFreqFilter learned parameters
    k_cross_channel = jax.random.normal(k3, (1,), dtype=jnp.float32)
    K_channel_wise = jax.random.normal(k4, (1, D_FEAT), dtype=jnp.float32)
    return {"h": h, "edge_index": edge_index,
            "k_cross_channel": k_cross_channel, "K_channel_wise": K_channel_wise}


def reference(h, edge_index, k_cross_channel, K_channel_wise):
    n = h.shape[0]
    src = edge_index[0]
    dst = edge_index[1]
    # add self loops (dgl.add_self_loop)
    loop = jnp.arange(n, dtype=src.dtype)
    src_l = jnp.concatenate([src, loop])
    dst_l = jnp.concatenate([dst, loop])
    # in-degrees of graph-with-loops, clamp(min=1)
    deg = jnp.zeros((n,), dtype=jnp.float32).at[dst_l].add(1.0)
    deg = jnp.clip(deg, 1.0, None)
    deg_inv_sqrt = deg ** -0.5
    # normalized adjacency entry A_norm[src, dst] = d^-1/2[src] * d^-1/2[dst]
    w = deg_inv_sqrt[src_l] * deg_inv_sqrt[dst_l]

    def laplacian_mm(H):
        # (A_norm @ H)[i] = sum over edges with src==i of w * H[dst]
        agg = jax.ops.segment_sum(w[:, None] * H[dst_l], src_l, num_segments=n)
        return H - agg  # L = I - A_norm

    # base_gnn is identity (base_gnn(g, h) -> h)
    base_h = h
    LH = laplacian_mm(base_h)
    h_ccr = base_h - k_cross_channel[0] * LH
    h_cwr = base_h - laplacian_mm(base_h * K_channel_wise)
    final_h = (h_ccr + h_cwr) / 2.0
    # eval mode: loss_gna is None, return final_h
    return final_h

if __name__ == "__main__":
    import jax
    _d = setup_inputs()
    print(jax.jit(kernel)(*tuple(_d.values())))

</pallas_src>

<mosaic_0001>
#map = affine_map<(d0, d1) -> (0, 0)>
#map1 = affine_map<(d0, d1) -> (0, 0, 0)>
module attributes {stable_mosaic.version = 14 : i64} {
  func.func @_sc_spmm(%arg0: i32, %arg1: i32, %arg2: memref<10112x128xf32, #tpu.memory_space<hbm>>, %arg3: memref<2560x128xi32, #tpu.memory_space<hbm>>, %arg4: memref<2560x128xi32, #tpu.memory_space<hbm>>, %arg5: memref<2x10112x128xf32, #tpu.memory_space<hbm>>, %arg6: memref<40x128xi32, #tpu.memory_space<vmem>>, %arg7: memref<40x128xi32, #tpu.memory_space<vmem>>, %arg8: memref<128x128xf32, #tpu.memory_space<vmem>>, %arg9: memref<128x128xf32, #tpu.memory_space<vmem>>, %arg10: memref<10112x128xf32, #tpu.memory_space<vmem_shared>>, %arg11: memref<!tpu.dma_semaphore, #tpu.memory_space<semaphore_mem>>, %arg12: memref<!tpu.dma_semaphore, #tpu.memory_space<semaphore_mem>>, %arg13: memref<!tpu.dma_semaphore, #tpu.memory_space<semaphore_mem>>, %arg14: memref<!tpu.dma_semaphore, #tpu.memory_space<semaphore_mem>>) attributes {dimension_semantics = [#tpu.dimension_semantics<core_parallel>, #tpu.dimension_semantics<subcore_parallel>], iteration_bounds = array<i64: 2, 16>, scalar_prefetch = 0 : i64, scratch_operands = 9 : i64, tpu.core_type = #tpu.core_type<sc_vector_subcore>, window_params = [{transform_indices = #map}, {transform_indices = #map}, {transform_indices = #map}, {transform_indices = #map1}]} {
    %mul3A = arith.constant 16 : i32
    %mul3A_0 = arith.muli %arg0, %mul3A : i32
    %add3A = arith.addi %mul3A_0, %arg1 : i32
    %scan3A = arith.constant 0 : i32
    %scan3A_1 = arith.constant 0 : i32
    %scan3A_2 = arith.constant 128 : i32
    %scan3A_3 = arith.addi %scan3A_1, %scan3A_2 : i32
    %scan3A_4 = arith.constant 1 : i32
    scf.for %scan3A_169 = %scan3A_1 to %scan3A_3 step %scan3A_4  : i32 {
      %broadcast_in_dim3A = arith.constant 0.000000e+00 : f32
      %broadcast_in_dim3A_170 = vector.broadcast %broadcast_in_dim3A : f32 to vector<16xf32>
      %swap3A = arith.index_cast %scan3A_169 : i32 to index
      %swap3A_171 = arith.constant 0 : index
      %swap3A_172 = tpu.vector_load %arg8[%swap3A, %swap3A_171] {strides = array<i32>} : memref<128x128xf32, #tpu.memory_space<vmem>>, vector<1x16xf32>,
      %swap3A_173 = vector.shape_cast %swap3A_172 : vector<1x16xf32> to vector<16xf32>
      %swap3A_174 = vector.shape_cast %broadcast_in_dim3A_170 : vector<16xf32> to vector<1x16xf32>
      tpu.vector_store %arg8[%swap3A, %swap3A_171], %swap3A_174 {strides = array<i32>} : memref<128x128xf32, #tpu.memory_space<vmem>>, vector<1x16xf32>,
      %broadcast_in_dim3A_175 = arith.constant 0.000000e+00 : f32
      %broadcast_in_dim3A_176 = vector.broadcast %broadcast_in_dim3A_175 : f32 to vector<16xf32>
      %swap3A_177 = arith.index_cast %scan3A_169 : i32 to index
      %swap3A_178 = arith.constant 16 : index
      %swap3A_179 = tpu.vector_load %arg8[%swap3A_177, %swap3A_178] {strides = array<i32>} : memref<128x128xf32, #tpu.memory_space<vmem>>, vector<1x16xf32>,
      %swap3A_180 = vector.shape_cast %swap3A_179 : vector<1x16xf32> to vector<16xf32>
      %swap3A_181 = vector.shape_cast %broadcast_in_dim3A_176 : vector<16xf32> to vector<1x16xf32>
      tpu.vector_store %arg8[%swap3A_177, %swap3A_178], %swap3A_181 {strides = array<i32>} : memref<128x128xf32, #tpu.memory_space<vmem>>, vector<1x16xf32>,
      %broadcast_in_dim3A_182 = arith.constant 0.000000e+00 : f32
      %broadcast_in_dim3A_183 = vector.broadcast %broadcast_in_dim3A_182 : f32 to vector<16xf32>
      %swap3A_184 = arith.index_cast %scan3A_169 : i32 to index
      %swap3A_185 = arith.constant 32 : index
      %swap3A_186 = tpu.vector_load %arg8[%swap3A_184, %swap3A_185] {strides = array<i32>} : memref<128x128xf32, #tpu.memory_space<vmem>>, vector<1x16xf32>,
      %swap3A_187 = vector.shape_cast %swap3A_186 : vector<1x16xf32> to vector<16xf32>
      %swap3A_188 = vector.shape_cast %broadcast_in_dim3A_183 : vector<16xf32> to vector<1x16xf32>
      tpu.vector_store %arg8[%swap3A_184, %swap3A_185], %swap3A_188 {strides = array<i32>} : memref<128x128xf32, #tpu.memory_space<vmem>>, vector<1x16xf32>,
      %broadcast_in_dim3A_189 = arith.constant 0.000000e+00 : f32
      %broadcast_in_dim3A_190 = vector.broadcast %broadcast_in_dim3A_189 : f32 to vector<16xf32>
      %swap3A_191 = arith.index_cast %scan3A_169 : i32 to index
      %swap3A_192 = arith.constant 48 : index
      %swap3A_193 = tpu.vector_load %arg8[%swap3A_191, %swap3A_192] {strides = array<i32>} : memref<128x128xf32, #tpu.memory_space<vmem>>, vector<1x16xf32>,
      %swap3A_194 = vector.shape_cast %swap3A_193 : vector<1x16xf32> to vector<16xf32>
      %swap3A_195 = vector.shape_cast %broadcast_in_dim3A_190 : vector<16xf32> to vector<1x16xf32>
      tpu.vector_store %arg8[%swap3A_191, %swap3A_192], %swap3A_195 {strides = array<i32>} : memref<128x128xf32, #tpu.memory_space<vmem>>, vector<1x16xf32>,
      %broadcast_in_dim3A_196 = arith.constant 0.000000e+00 : f32
      %broadcast_in_dim3A_197 = vector.broadcast %broadcast_in_dim3A_196 : f32 to vector<16xf32>
      %swap3A_198 = arith.index_cast %scan3A_169 : i32 to index
      %swap3A_199 = arith.constant 64 : index
      %swap3A_200 = tpu.vector_load %arg8[%swap3A_198, %swap3A_199] {strides = array<i32>} : memref<128x128xf32, #tpu.memory_space<vmem>>, vector<1x16xf32>,
      %swap3A_201 = vector.shape_cast %swap3A_200 : vector<1x16xf32> to vector<16xf32>
      %swap3A_202 = vector.shape_cast %broadcast_in_dim3A_197 : vector<16xf32> to vector<1x16xf32>
      tpu.vector_store %arg8[%swap3A_198, %swap3A_199], %swap3A_202 {strides = array<i32>} : memref<128x128xf32, #tpu.memory_space<vmem>>, vector<1x16xf32>,
      %broadcast_in_dim3A_203 = arith.constant 0.000000e+00 : f32
      %broadcast_in_dim3A_204 = vector.broadcast %broadcast_in_dim3A_203 : f32 to vector<16xf32>
      %swap3A_205 = arith.index_cast %scan3A_169 : i32 to index
      %swap3A_206 = arith.constant 80 : index
      %swap3A_207 = tpu.vector_load %arg8[%swap3A_205, %swap3A_206] {strides = array<i32>} : memref<128x128xf32, #tpu.memory_space<vmem>>, vector<1x16xf32>,
      %swap3A_208 = vector.shape_cast %swap3A_207 : vector<1x16xf32> to vector<16xf32>
      %swap3A_209 = vector.shape_cast %broadcast_in_dim3A_204 : vector<16xf32> to vector<1x16xf32>
      tpu.vector_store %arg8[%swap3A_205, %swap3A_206], %swap3A_209 {strides = array<i32>} : memref<128x128xf32, #tpu.memory_space<vmem>>, vector<1x16xf32>,
      %broadcast_in_dim3A_210 = arith.constant 0.000000e+00 : f32
      %broadcast_in_dim3A_211 = vector.broadcast %broadcast_in_dim3A_210 : f32 to vector<16xf32>
      %swap3A_212 = arith.index_cast %scan3A_169 : i32 to index
      %swap3A_213 = arith.constant 96 : index
      %swap3A_214 = tpu.vector_load %arg8[%swap3A_212, %swap3A_213] {strides = array<i32>} : memref<128x128xf32, #tpu.memory_space<vmem>>, vector<1x16xf32>,
      %swap3A_215 = vector.shape_cast %swap3A_214 : vector<1x16xf32> to vector<16xf32>
      %swap3A_216 = vector.shape_cast %broadcast_in_dim3A_211 : vector<16xf32> to vector<1x16xf32>
      tpu.vector_store %arg8[%swap3A_212, %swap3A_213], %swap3A_216 {strides = array<i32>} : memref<128x128xf32, #tpu.memory_space<vmem>>, vector<1x16xf32>,
      %broadcast_in_dim3A_217 = arith.constant 0.000000e+00 : f32
      %broadcast_in_dim3A_218 = vector.broadcast %broadcast_in_dim3A_217 : f32 to vector<16xf32>
      %swap3A_219 = arith.index_cast %scan3A_169 : i32 to index
      %swap3A_220 = arith.constant 112 : index
      %swap3A_221 = tpu.vector_load %arg8[%swap3A_219, %swap3A_220] {strides = array<i32>} : memref<128x128xf32, #tpu.memory_space<vmem>>, vector<1x16xf32>,
      %swap3A_222 = vector.shape_cast %swap3A_221 : vector<1x16xf32> to vector<16xf32>
      %swap3A_223 = vector.shape_cast %broadcast_in_dim3A_218 : vector<16xf32> to vector<1x16xf32>
      tpu.vector_store %arg8[%swap3A_219, %swap3A_220], %swap3A_223 {strides = array<i32>} : memref<128x128xf32, #tpu.memory_space<vmem>>, vector<1x16xf32>,
    }
    %scan3A_5 = arith.constant 128 : i32
    %mul3A_6 = arith.constant 632 : i32
    %mul3A_7 = arith.muli %arg1, %mul3A_6 : i32
    %add3A_8 = arith.constant 0 : i32
    %add3A_9 = arith.addi %mul3A_7, %add3A_8 : i32
    "tpu.region"() ({
      %run_scoped3A = tpu.sem_alloc : memref<!tpu.dma_semaphore, #tpu.memory_space<semaphore_mem>>
      %dma_start3A_169 = arith.constant 0 : i32
      %dma_start3A_170 = tpu.memref_slice %arg10[%add3A_9, %dma_start3A_169] : memref<10112x128xf32, #tpu.memory_space<vmem_shared>> -> memref<128x128xf32, #tpu.memory_space<vmem_shared>>
      %dma_start3A_171 = arith.constant 0 : i32
      %dma_start3A_172 = tpu.memref_slice %arg10[%add3A_9, %dma_start3A_171] : memref<10112x128xf32, #tpu.memory_space<vmem_shared>> -> memref<128x128xf32, #tpu.memory_space<vmem_shared>>
      tpu.enqueue_dma source(%arg8 : memref<128x128xf32, #tpu.memory_space<vmem>>) target(%dma_start3A_172 : memref<128x128xf32, #tpu.memory_space<vmem_shared>>) target_semaphore(%run_scoped3A : memref<!tpu.dma_semaphore, #tpu.memory_space<semaphore_mem>>)
      %dma_wait3A_173 = arith.constant 0 : i32
      %dma_wait3A_174 = tpu.memref_slice %arg10[%add3A_9, %dma_wait3A_173] : memref<10112x128xf32, #tpu.memory_space<vmem_shared>> -> memref<128x128xf32, #tpu.memory_space<vmem_shared>>
      %dma_wait3A_175 = arith.constant 0 : i32
      %dma_wait3A_176 = tpu.memref_slice %arg10[%add3A_9, %dma_wait3A_175] : memref<10112x128xf32, #tpu.memory_space<vmem_shared>> -> memref<128x128xf32, #tpu.memory_space<vmem_shared>>
      tpu.wait_dma2 semaphore(%run_scoped3A : memref<!tpu.dma_semaphore, #tpu.memory_space<semaphore_mem>>) src(%arg8 : memref<128x128xf32, #tpu.memory_space<vmem>>) dst(%dma_wait3A_176 : memref<128x128xf32, #tpu.memory_space<vmem_shared>>)
      tpu.yield
    }) : () -> ()
    %mul3A_10 = arith.constant 632 : i32
    %mul3A_11 = arith.muli %arg1, %mul3A_10 : i32
    %add3A_12 = arith.constant 128 : i32
    %add3A_13 = arith.addi %mul3A_11, %add3A_12 : i32
    "tpu.region"() ({
      %run_scoped3A = tpu.sem_alloc : memref<!tpu.dma_semaphore, #tpu.memory_space<semaphore_mem>>
      %dma_start3A_169 = arith.constant 0 : i32
      %dma_start3A_170 = tpu.memref_slice %arg10[%add3A_13, %dma_start3A_169] : memref<10112x128xf32, #tpu.memory_space<vmem_shared>> -> memref<128x128xf32, #tpu.memory_space<vmem_shared>>
      %dma_start3A_171 = arith.constant 0 : i32
      %dma_start3A_172 = tpu.memref_slice %arg10[%add3A_13, %dma_start3A_171] : memref<10112x128xf32, #tpu.memory_space<vmem_shared>> -> memref<128x128xf32, #tpu.memory_space<vmem_shared>>
      tpu.enqueue_dma source(%arg8 : memref<128x128xf32, #tpu.memory_space<vmem>>) target(%dma_start3A_172 : memref<128x128xf32, #tpu.memory_space<vmem_shared>>) target_semaphore(%run_scoped3A : memref<!tpu.dma_semaphore, #tpu.memory_space<semaphore_mem>>)
      %dma_wait3A_173 = arith.constant 0 : i32
      %dma_wait3A_174 = tpu.memref_slice %arg10[%add3A_13, %dma_wait3A_173] : memref<10112x128xf32, #tpu.memory_space<vmem_shared>> -> memref<128x128xf32, #tpu.memory_space<vmem_shared>>
      %dma_wait3A_175 = arith.constant 0 : i32
      %dma_wait3A_176 = tpu.memref_slice %arg10[%add3A_13, %dma_wait3A_175] : memref<10112x128xf32, #tpu.memory_space<vmem_shared>> -> memref<128x128xf32, #tpu.memory_space<vmem_shared>>
      tpu.wait_dma2 semaphore(%run_scoped3A : memref<!tpu.dma_semaphore, #tpu.memory_space<semaphore_mem>>) src(%arg8 : memref<128x128xf32, #tpu.memory_space<vmem>>) dst(%dma_wait3A_176 : memref<128x128xf32, #tpu.memory_space<vmem_shared>>)
      tpu.yield
    }) : () -> ()
    %mul3A_14 = arith.constant 632 : i32
    %mul3A_15 = arith.muli %arg1, %mul3A_14 : i32
    %add3A_16 = arith.constant 256 : i32
    %add3A_17 = arith.addi %mul3A_15, %add3A_16 : i32
    "tpu.region"() ({
      %run_scoped3A = tpu.sem_alloc : memref<!tpu.dma_semaphore, #tpu.memory_space<semaphore_mem>>
      %dma_start3A_169 = arith.constant 0 : i32
      %dma_start3A_170 = tpu.memref_slice %arg10[%add3A_17, %dma_start3A_169] : memref<10112x128xf32, #tpu.memory_space<vmem_shared>> -> memref<128x128xf32, #tpu.memory_space<vmem_shared>>
      %dma_start3A_171 = arith.constant 0 : i32
      %dma_start3A_172 = tpu.memref_slice %arg10[%add3A_17, %dma_start3A_171] : memref<10112x128xf32, #tpu.memory_space<vmem_shared>> -> memref<128x128xf32, #tpu.memory_space<vmem_shared>>
      tpu.enqueue_dma source(%arg8 : memref<128x128xf32, #tpu.memory_space<vmem>>) target(%dma_start3A_172 : memref<128x128xf32, #tpu.memory_space<vmem_shared>>) target_semaphore(%run_scoped3A : memref<!tpu.dma_semaphore, #tpu.memory_space<semaphore_mem>>)
      %dma_wait3A_173 = arith.constant 0 : i32
      %dma_wait3A_174 = tpu.memref_slice %arg10[%add3A_17, %dma_wait3A_173] : memref<10112x128xf32, #tpu.memory_space<vmem_shared>> -> memref<128x128xf32, #tpu.memory_space<vmem_shared>>
      %dma_wait3A_175 = arith.constant 0 : i32
      %dma_wait3A_176 = tpu.memref_slice %arg10[%add3A_17, %dma_wait3A_175] : memref<10112x128xf32, #tpu.memory_space<vmem_shared>> -> memref<128x128xf32, #tpu.memory_space<vmem_shared>>
      tpu.wait_dma2 semaphore(%run_scoped3A : memref<!tpu.dma_semaphore, #tpu.memory_space<semaphore_mem>>) src(%arg8 : memref<128x128xf32, #tpu.memory_space<vmem>>) dst(%dma_wait3A_176 : memref<128x128xf32, #tpu.memory_space<vmem_shared>>)
      tpu.yield
    }) : () -> ()
    %mul3A_18 = arith.constant 632 : i32
    %mul3A_19 = arith.muli %arg1, %mul3A_18 : i32
    %add3A_20 = arith.constant 384 : i32
    %add3A_21 = arith.addi %mul3A_19, %add3A_20 : i32
    "tpu.region"() ({
      %run_scoped3A = tpu.sem_alloc : memref<!tpu.dma_semaphore, #tpu.memory_space<semaphore_mem>>
      %dma_start3A_169 = arith.constant 0 : i32
      %dma_start3A_170 = tpu.memref_slice %arg10[%add3A_21, %dma_start3A_169] : memref<10112x128xf32, #tpu.memory_space<vmem_shared>> -> memref<128x128xf32, #tpu.memory_space<vmem_shared>>
      %dma_start3A_171 = arith.constant 0 : i32
      %dma_start3A_172 = tpu.memref_slice %arg10[%add3A_21, %dma_start3A_171] : memref<10112x128xf32, #tpu.memory_space<vmem_shared>> -> memref<128x128xf32, #tpu.memory_space<vmem_shared>>
      tpu.enqueue_dma source(%arg8 : memref<128x128xf32, #tpu.memory_space<vmem>>) target(%dma_start3A_172 : memref<128x128xf32, #tpu.memory_space<vmem_shared>>) target_semaphore(%run_scoped3A : memref<!tpu.dma_semaphore, #tpu.memory_space<semaphore_mem>>)
      %dma_wait3A_173 = arith.constant 0 : i32
      %dma_wait3A_174 = tpu.memref_slice %arg10[%add3A_21, %dma_wait3A_173] : memref<10112x128xf32, #tpu.memory_space<vmem_shared>> -> memref<128x128xf32, #tpu.memory_space<vmem_shared>>
      %dma_wait3A_175 = arith.constant 0 : i32
      %dma_wait3A_176 = tpu.memref_slice %arg10[%add3A_21, %dma_wait3A_175] : memref<10112x128xf32, #tpu.memory_space<vmem_shared>> -> memref<128x128xf32, #tpu.memory_space<vmem_shared>>
      tpu.wait_dma2 semaphore(%run_scoped3A : memref<!tpu.dma_semaphore, #tpu.memory_space<semaphore_mem>>) src(%arg8 : memref<128x128xf32, #tpu.memory_space<vmem>>) dst(%dma_wait3A_176 : memref<128x128xf32, #tpu.memory_space<vmem_shared>>)
      tpu.yield
    }) : () -> ()
    %mul3A_22 = arith.constant 632 : i32
    %mul3A_23 = arith.muli %arg1, %mul3A_22 : i32
    %add3A_24 = arith.constant 512 : i32
    %add3A_25 = arith.addi %mul3A_23, %add3A_24 : i32
    "tpu.region"() ({
      %run_scoped3A = tpu.sem_alloc : memref<!tpu.dma_semaphore, #tpu.memory_space<semaphore_mem>>
      %dma_start3A_169 = arith.constant 0 : i32
      %dma_start3A_170 = arith.constant 0 : i32
      %dma_start3A_171 = tpu.memref_slice %arg8[%dma_start3A_169, %dma_start3A_170] : memref<128x128xf32, #tpu.memory_space<vmem>> -> memref<120x128xf32, #tpu.memory_space<vmem>>
      %dma_start3A_172 = arith.constant 0 : i32
      %dma_start3A_173 = tpu.memref_slice %arg10[%add3A_25, %dma_start3A_172] : memref<10112x128xf32, #tpu.memory_space<vmem_shared>> -> memref<120x128xf32, #tpu.memory_space<vmem_shared>>
      %dma_start3A_174 = arith.constant 0 : i32
      %dma_start3A_175 = tpu.memref_slice %arg10[%add3A_25, %dma_start3A_174] : memref<10112x128xf32, #tpu.memory_space<vmem_shared>> -> memref<120x128xf32, #tpu.memory_space<vmem_shared>>
      %dma_start3A_176 = arith.constant 0 : i32
      %dma_start3A_177 = arith.constant 0 : i32
      %dma_start3A_178 = tpu.memref_slice %arg8[%dma_start3A_176, %dma_start3A_177] : memref<128x128xf32, #tpu.memory_space<vmem>> -> memref<120x128xf32, #tpu.memory_space<vmem>>
      tpu.enqueue_dma source(%dma_start3A_178 : memref<120x128xf32, #tpu.memory_space<vmem>>) target(%dma_start3A_175 : memref<120x128xf32, #tpu.memory_space<vmem_shared>>) target_semaphore(%run_scoped3A : memref<!tpu.dma_semaphore, #tpu.memory_space<semaphore_mem>>)
      %dma_wait3A_179 = arith.constant 0 : i32
      %dma_wait3A_180 = arith.constant 0 : i32
      %dma_wait3A_181 = tpu.memref_slice %arg8[%dma_wait3A_179, %dma_wait3A_180] : memref<128x128xf32, #tpu.memory_space<vmem>> -> memref<120x128xf32, #tpu.memory_space<vmem>>
      %dma_wait3A_182 = arith.constant 0 : i32
      %dma_wait3A_183 = tpu.memref_slice %arg10[%add3A_25, %dma_wait3A_182] : memref<10112x128xf32, #tpu.memory_space<vmem_shared>> -> memref<120x128xf32, #tpu.memory_space<vmem_shared>>
      %dma_wait3A_184 = arith.constant 0 : i32
      %dma_wait3A_185 = tpu.memref_slice %arg10[%add3A_25, %dma_wait3A_184] : memref<10112x128xf32, #tpu.memory_space<vmem_shared>> -> memref<120x128xf32, #tpu.memory_space<vmem_shared>>
      %dma_wait3A_186 = arith.constant 0 : i32
      %dma_wait3A_187 = arith.constant 0 : i32
      %dma_wait3A_188 = tpu.memref_slice %arg8[%dma_wait3A_186, %dma_wait3A_187] : memref<128x128xf32, #tpu.memory_space<vmem>> -> memref<120x128xf32, #tpu.memory_space<vmem>>
      tpu.wait_dma2 semaphore(%run_scoped3A : memref<!tpu.dma_semaphore, #tpu.memory_space<semaphore_mem>>) src(%dma_wait3A_188 : memref<120x128xf32, #tpu.memory_space<vmem>>) dst(%dma_wait3A_185 : memref<120x128xf32, #tpu.memory_space<vmem_shared>>)
      tpu.yield
    }) : () -> ()
    %barrier3A = arith.constant 0 : index
    tpu.barrier barrier_id(%barrier3A)
    %mul3A_26 = arith.constant 80 : i32
    %mul3A_27 = arith.muli %add3A, %mul3A_26 : i32
    %add3A_28 = arith.constant 0 : i32
    %add3A_29 = arith.addi %mul3A_27, %add3A_28 : i32
    "tpu.region"() ({
      %run_scoped3A = tpu.sem_alloc : memref<!tpu.dma_semaphore, #tpu.memory_space<semaphore_mem>>
      %dma_start3A_169 = arith.constant 0 : i32
      %dma_start3A_170 = tpu.memref_slice %arg3[%add3A_29, %dma_start3A_169] : memref<2560x128xi32, #tpu.memory_space<hbm>> -> memref<40x128xi32, #tpu.memory_space<hbm>>
      %dma_start3A_171 = arith.constant 0 : i32
      %dma_start3A_172 = tpu.memref_slice %arg3[%add3A_29, %dma_start3A_171] : memref<2560x128xi32, #tpu.memory_space<hbm>> -> memref<40x128xi32, #tpu.memory_space<hbm>>
      tpu.enqueue_dma source(%dma_start3A_172 : memref<40x128xi32, #tpu.memory_space<hbm>>) target(%arg6 : memref<40x128xi32, #tpu.memory_space<vmem>>) target_semaphore(%run_scoped3A : memref<!tpu.dma_semaphore, #tpu.memory_space<semaphore_mem>>)
      %dma_wait3A_173 = arith.constant 0 : i32
      %dma_wait3A_174 = tpu.memref_slice %arg3[%add3A_29, %dma_wait3A_173] : memref<2560x128xi32, #tpu.memory_space<hbm>> -> memref<40x128xi32, #tpu.memory_space<hbm>>
      %dma_wait3A_175 = arith.constant 0 : i32
      %dma_wait3A_176 = tpu.memref_slice %arg3[%add3A_29, %dma_wait3A_175] : memref<2560x128xi32, #tpu.memory_space<hbm>> -> memref<40x128xi32, #tpu.memory_space<hbm>>
      tpu.wait_dma2 semaphore(%run_scoped3A : memref<!tpu.dma_semaphore, #tpu.memory_space<semaphore_mem>>) src(%dma_wait3A_176 : memref<40x128xi32, #tpu.memory_space<hbm>>) dst(%arg6 : memref<40x128xi32, #tpu.memory_space<vmem>>)
      tpu.yield
    }) : () -> ()
    %mul3A_30 = arith.constant 80 : i32
    %mul3A_31 = arith.muli %add3A, %mul3A_30 : i32
    %add3A_32 = arith.constant 0 : i32
    %add3A_33 = arith.addi %mul3A_31, %add3A_32 : i32
    "tpu.region"() ({
      %run_scoped3A = tpu.sem_alloc : memref<!tpu.dma_semaphore, #tpu.memory_space<semaphore_mem>>
      %dma_start3A_169 = arith.constant 0 : i32
      %dma_start3A_170 = tpu.memref_slice %arg4[%add3A_33, %dma_start3A_169] : memref<2560x128xi32, #tpu.memory_space<hbm>> -> memref<40x128xi32, #tpu.memory_space<hbm>>
      %dma_start3A_171 = arith.constant 0 : i32
      %dma_start3A_172 = tpu.memref_slice %arg4[%add3A_33, %dma_start3A_171] : memref<2560x128xi32, #tpu.memory_space<hbm>> -> memref<40x128xi32, #tpu.memory_space<hbm>>
      tpu.enqueue_dma source(%dma_start3A_172 : memref<40x128xi32, #tpu.memory_space<hbm>>) target(%arg7 : memref<40x128xi32, #tpu.memory_space<vmem>>) target_semaphore(%run_scoped3A : memref<!tpu.dma_semaphore, #tpu.memory_space<semaphore_mem>>)
      %dma_wait3A_173 = arith.constant 0 : i32
      %dma_wait3A_174 = tpu.memref_slice %arg4[%add3A_33, %dma_wait3A_173] : memref<2560x128xi32, #tpu.memory_space<hbm>> -> memref<40x128xi32, #tpu.memory_space<hbm>>
      %dma_wait3A_175 = arith.constant 0 : i32
      %dma_wait3A_176 = tpu.memref_slice %arg4[%add3A_33, %dma_wait3A_175] : memref<2560x128xi32, #tpu.memory_space<hbm>> -> memref<40x128xi32, #tpu.memory_space<hbm>>
      tpu.wait_dma2 semaphore(%run_scoped3A : memref<!tpu.dma_semaphore, #tpu.memory_space<semaphore_mem>>) src(%dma_wait3A_176 : memref<40x128xi32, #tpu.memory_space<hbm>>) dst(%arg7 : memref<40x128xi32, #tpu.memory_space<vmem>>)
      tpu.yield
    }) : () -> ()
    %dma_start3A = arith.constant 0 : i32
    %dma_start3A_34 = arith.constant 0 : i32
    %dma_start3A_35 = tpu.memref_slice %arg7[%dma_start3A, %dma_start3A_34] : memref<40x128xi32, #tpu.memory_space<vmem>> -> memref<1x128xi32, #tpu.memory_space<vmem>>
    %dma_start3A_36 = tpu.memref_squeeze %dma_start3A_35 : memref<1x128xi32, #tpu.memory_space<vmem>> -> memref<128xi32, #tpu.memory_space<vmem>>
    %dma_start3A_37 = arith.constant 0 : i32
    %dma_start3A_38 = arith.constant 0 : i32
    %dma_start3A_39 = tpu.memref_slice %arg2[%dma_start3A_37, %dma_start3A_38] : memref<10112x128xf32, #tpu.memory_space<hbm>> -> memref<10112x128xf32, #tpu.memory_space<hbm>>
    tpu.enqueue_indirect_dma source(%dma_start3A_39 : memref<10112x128xf32, #tpu.memory_space<hbm>>) target(%arg8 : memref<128x128xf32, #tpu.memory_space<vmem>>) offsets(%dma_start3A_36 : memref<128xi32, #tpu.memory_space<vmem>>) semaphore(%arg11 : memref<!tpu.dma_semaphore, #tpu.memory_space<semaphore_mem>>)
    %dma_wait3A = arith.constant 0 : i32
    %dma_wait3A_40 = arith.constant 0 : i32
    %dma_wait3A_41 = tpu.memref_slice %arg7[%dma_wait3A, %dma_wait3A_40] : memref<40x128xi32, #tpu.memory_space<vmem>> -> memref<1x128xi32, #tpu.memory_space<vmem>>
    %dma_wait3A_42 = tpu.memref_squeeze %dma_wait3A_41 : memref<1x128xi32, #tpu.memory_space<vmem>> -> memref<128xi32, #tpu.memory_space<vmem>>
    %dma_wait3A_43 = arith.constant 0 : i32
    %dma_wait3A_44 = arith.constant 0 : i32
    %dma_wait3A_45 = tpu.memref_slice %arg2[%dma_wait3A_43, %dma_wait3A_44] : memref<10112x128xf32, #tpu.memory_space<hbm>> -> memref<10112x128xf32, #tpu.memory_space<hbm>>
    tpu.wait_indirect_dma semaphore(%arg11 : memref<!tpu.dma_semaphore, #tpu.memory_space<semaphore_mem>>) src(%dma_wait3A_45 : memref<10112x128xf32, #tpu.memory_space<hbm>>) dst(%arg8 : memref<128x128xf32, #tpu.memory_space<vmem>>)
    %dma_start3A_46 = arith.constant 0 : i32
    %dma_start3A_47 = arith.constant 0 : i32
    %dma_start3A_48 = tpu.memref_slice %arg6[%dma_start3A_46, %dma_start3A_47] : memref<40x128xi32, #tpu.memory_space<vmem>> -> memref<1x128xi32, #tpu.memory_space<vmem>>
    %dma_start3A_49 = tpu.memref_squeeze %dma_start3A_48 : memref<1x128xi32, #tpu.memory_space<vmem>> -> memref<128xi32, #tpu.memory_space<vmem>>
    %dma_start3A_50 = arith.constant 0 : i32
    %dma_start3A_51 = arith.constant 0 : i32
    %dma_start3A_52 = tpu.memref_slice %arg10[%dma_start3A_50, %dma_start3A_51] : memref<10112x128xf32, #tpu.memory_space<vmem_shared>> -> memref<10112x128xf32, #tpu.memory_space<vmem_shared>>
    tpu.enqueue_indirect_dma source(%arg8 : memref<128x128xf32, #tpu.memory_space<vmem>>) target(%dma_start3A_52 : memref<10112x128xf32, #tpu.memory_space<vmem_shared>>) offsets(%dma_start3A_49 : memref<128xi32, #tpu.memory_space<vmem>>) semaphore(%arg13 : memref<!tpu.dma_semaphore, #tpu.memory_space<semaphore_mem>>) {add = true}
    %dma_start3A_53 = arith.constant 1 : i32
    %dma_start3A_54 = arith.constant 0 : i32
    %dma_start3A_55 = tpu.memref_slice %arg7[%dma_start3A_53, %dma_start3A_54] : memref<40x128xi32, #tpu.memory_space<vmem>> -> memref<1x128xi32, #tpu.memory_space<vmem>>
    %dma_start3A_56 = tpu.memref_squeeze %dma_start3A_55 : memref<1x128xi32, #tpu.memory_space<vmem>> -> memref<128xi32, #tpu.memory_space<vmem>>
    %dma_start3A_57 = arith.constant 0 : i32
    %dma_start3A_58 = arith.constant 0 : i32
    %dma_start3A_59 = tpu.memref_slice %arg2[%dma_start3A_57, %dma_start3A_58] : memref<10112x128xf32, #tpu.memory_space<hbm>> -> memref<10112x128xf32, #tpu.memory_space<hbm>>
    tpu.enqueue_indirect_dma source(%dma_start3A_59 : memref<10112x128xf32, #tpu.memory_space<hbm>>) target(%arg9 : memref<128x128xf32, #tpu.memory_space<vmem>>) offsets(%dma_start3A_56 : memref<128xi32, #tpu.memory_space<vmem>>) semaphore(%arg12 : memref<!tpu.dma_semaphore, #tpu.memory_space<semaphore_mem>>)
    %dma_wait3A_60 = arith.constant 1 : i32
    %dma_wait3A_61 = arith.constant 0 : i32
    %dma_wait3A_62 = tpu.memref_slice %arg7[%dma_wait3A_60, %dma_wait3A_61] : memref<40x128xi32, #tpu.memory_space<vmem>> -> memref<1x128xi32, #tpu.memory_space<vmem>>
    %dma_wait3A_63 = tpu.memref_squeeze %dma_wait3A_62 : memref<1x128xi32, #tpu.memory_space<vmem>> -> memref<128xi32, #tpu.memory_space<vmem>>
    %dma_wait3A_64 = arith.constant 0 : i32
    %dma_wait3A_65 = arith.constant 0 : i32
    %dma_wait3A_66 = tpu.memref_slice %arg2[%dma_wait3A_64, %dma_wait3A_65] : memref<10112x128xf32, #tpu.memory_space<hbm>> -> memref<10112x128xf32, #tpu.memory_space<hbm>>
    tpu.wait_indirect_dma semaphore(%arg12 : memref<!tpu.dma_semaphore, #tpu.memory_space<semaphore_mem>>) src(%dma_wait3A_66 : memref<10112x128xf32, #tpu.memory_space<hbm>>) dst(%arg9 : memref<128x128xf32, #tpu.memory_space<vmem>>)
    %dma_start3A_67 = arith.constant 1 : i32
    %dma_start3A_68 = arith.constant 0 : i32
    %dma_start3A_69 = tpu.memref_slice %arg6[%dma_start3A_67, %dma_start3A_68] : memref<40x128xi32, #tpu.memory_space<vmem>> -> memref<1x128xi32, #tpu.memory_space<vmem>>
    %dma_start3A_70 = tpu.memref_squeeze %dma_start3A_69 : memref<1x128xi32, #tpu.memory_space<vmem>> -> memref<128xi32, #tpu.memory_space<vmem>>
    %dma_start3A_71 = arith.constant 0 : i32
    %dma_start3A_72 = arith.constant 0 : i32
    %dma_start3A_73 = tpu.memref_slice %arg10[%dma_start3A_71, %dma_start3A_72] : memref<10112x128xf32, #tpu.memory_space<vmem_shared>> -> memref<10112x128xf32, #tpu.memory_space<vmem_shared>>
    tpu.enqueue_indirect_dma source(%arg9 : memref<128x128xf32, #tpu.memory_space<vmem>>) target(%dma_start3A_73 : memref<10112x128xf32, #tpu.memory_space<vmem_shared>>) offsets(%dma_start3A_70 : memref<128xi32, #tpu.memory_space<vmem>>) semaphore(%arg14 : memref<!tpu.dma_semaphore, #tpu.memory_space<semaphore_mem>>) {add = true}
    %scan3A_74 = arith.constant 0 : i32
    %scan3A_75 = arith.constant 0 : i32
    %scan3A_76 = arith.constant 19 : i32
    %scan3A_77 = arith.addi %scan3A_75, %scan3A_76 : i32
    %scan3A_78 = arith.constant 1 : i32
    scf.for %scan3A_169 = %scan3A_75 to %scan3A_77 step %scan3A_78  : i32 {
      %mul3A_170 = arith.constant 2 : i32
      %mul3A_171 = arith.muli %mul3A_170, %scan3A_169 : i32
      %add3A_172 = arith.constant 2 : i32
      %add3A_173 = arith.addi %mul3A_171, %add3A_172 : i32
      %sub3A = arith.constant 2 : i32
      %sub3A_174 = arith.subi %add3A_173, %sub3A : i32
      %dma_wait3A_175 = arith.constant 0 : i32
      %dma_wait3A_176 = tpu.memref_slice %arg6[%sub3A_174, %dma_wait3A_175] : memref<40x128xi32, #tpu.memory_space<vmem>> -> memref<1x128xi32, #tpu.memory_space<vmem>>
      %dma_wait3A_177 = tpu.memref_squeeze %dma_wait3A_176 : memref<1x128xi32, #tpu.memory_space<vmem>> -> memref<128xi32, #tpu.memory_space<vmem>>
      %dma_wait3A_178 = arith.constant 0 : i32
      %dma_wait3A_179 = arith.constant 0 : i32
      %dma_wait3A_180 = tpu.memref_slice %arg10[%dma_wait3A_178, %dma_wait3A_179] : memref<10112x128xf32, #tpu.memory_space<vmem_shared>> -> memref<10112x128xf32, #tpu.memory_space<vmem_shared>>
      tpu.wait_indirect_dma semaphore(%arg13 : memref<!tpu.dma_semaphore, #tpu.memory_space<semaphore_mem>>) src(%arg8 : memref<128x128xf32, #tpu.memory_space<vmem>>) dst(%dma_wait3A_180 : memref<10112x128xf32, #tpu.memory_space<vmem_shared>>)
      %dma_start3A_181 = arith.constant 0 : i32
      %dma_start3A_182 = tpu.memref_slice %arg7[%add3A_173, %dma_start3A_181] : memref<40x128xi32, #tpu.memory_space<vmem>> -> memref<1x128xi32, #tpu.memory_space<vmem>>
      %dma_start3A_183 = tpu.memref_squeeze %dma_start3A_182 : memref<1x128xi32, #tpu.memory_space<vmem>> -> memref<128xi32, #tpu.memory_space<vmem>>
      %dma_start3A_184 = arith.constant 0 : i32
      %dma_start3A_185 = arith.constant 0 : i32
      %dma_start3A_186 = tpu.memref_slice %arg2[%dma_start3A_184, %dma_start3A_185] : memref<10112x128xf32, #tpu.memory_space<hbm>> -> memref<10112x128xf32, #tpu.memory_space<hbm>>
      tpu.enqueue_indirect_dma source(%dma_start3A_186 : memref<10112x128xf32, #tpu.memory_space<hbm>>) target(%arg8 : memref<128x128xf32, #tpu.memory_space<vmem>>) offsets(%dma_start3A_183 : memref<128xi32, #tpu.memory_space<vmem>>) semaphore(%arg11 : memref<!tpu.dma_semaphore, #tpu.memory_space<semaphore_mem>>)
      %dma_wait3A_187 = arith.constant 0 : i32
      %dma_wait3A_188 = tpu.memref_slice %arg7[%add3A_173, %dma_wait3A_187] : memref<40x128xi32, #tpu.memory_space<vmem>> -> memref<1x128xi32, #tpu.memory_space<vmem>>
      %dma_wait3A_189 = tpu.memref_squeeze %dma_wait3A_188 : memref<1x128xi32, #tpu.memory_space<vmem>> -> memref<128xi32, #tpu.memory_space<vmem>>
      %dma_wait3A_190 = arith.constant 0 : i32
      %dma_wait3A_191 = arith.constant 0 : i32
      %dma_wait3A_192 = tpu.memref_slice %arg2[%dma_wait3A_190, %dma_wait3A_191] : memref<10112x128xf32, #tpu.memory_space<hbm>> -> memref<10112x128xf32, #tpu.memory_space<hbm>>
      tpu.wait_indirect_dma semaphore(%arg11 : memref<!tpu.dma_semaphore, #tpu.memory_space<semaphore_mem>>) src(%dma_wait3A_192 : memref<10112x128xf32, #tpu.memory_space<hbm>>) dst(%arg8 : memref<128x128xf32, #tpu.memory_space<vmem>>)
      %dma_start3A_193 = arith.constant 0 : i32
      %dma_start3A_194 = tpu.memref_slice %arg6[%add3A_173, %dma_start3A_193] : memref<40x128xi32, #tpu.memory_space<vmem>> -> memref<1x128xi32, #tpu.memory_space<vmem>>
      %dma_start3A_195 = tpu.memref_squeeze %dma_start3A_194 : memref<1x128xi32, #tpu.memory_space<vmem>> -> memref<128xi32, #tpu.memory_space<vmem>>
      %dma_start3A_196 = arith.constant 0 : i32
      %dma_start3A_197 = arith.constant 0 : i32
      %dma_start3A_198 = tpu.memref_slice %arg10[%dma_start3A_196, %dma_start3A_197] : memref<10112x128xf32, #tpu.memory_space<vmem_shared>> -> memref<10112x128xf32, #tpu.memory_space<vmem_shared>>
      tpu.enqueue_indirect_dma source(%arg8 : memref<128x128xf32, #tpu.memory_space<vmem>>) target(%dma_start3A_198 : memref<10112x128xf32, #tpu.memory_space<vmem_shared>>) offsets(%dma_start3A_195 : memref<128xi32, #tpu.memory_space<vmem>>) semaphore(%arg13 : memref<!tpu.dma_semaphore, #tpu.memory_space<semaphore_mem>>) {add = true}
      %sub3A_199 = arith.constant 1 : i32
      %sub3A_200 = arith.subi %add3A_173, %sub3A_199 : i32
      %dma_wait3A_201 = arith.constant 0 : i32
      %dma_wait3A_202 = tpu.memref_slice %arg6[%sub3A_200, %dma_wait3A_201] : memref<40x128xi32, #tpu.memory_space<vmem>> -> memref<1x128xi32, #tpu.memory_space<vmem>>
      %dma_wait3A_203 = tpu.memref_squeeze %dma_wait3A_202 : memref<1x128xi32, #tpu.memory_space<vmem>> -> memref<128xi32, #tpu.memory_space<vmem>>
      %dma_wait3A_204 = arith.constant 0 : i32
      %dma_wait3A_205 = arith.constant 0 : i32
      %dma_wait3A_206 = tpu.memref_slice %arg10[%dma_wait3A_204, %dma_wait3A_205] : memref<10112x128xf32, #tpu.memory_space<vmem_shared>> -> memref<10112x128xf32, #tpu.memory_space<vmem_shared>>
      tpu.wait_indirect_dma semaphore(%arg14 : memref<!tpu.dma_semaphore, #tpu.memory_space<semaphore_mem>>) src(%arg9 : memref<128x128xf32, #tpu.memory_space<vmem>>) dst(%dma_wait3A_206 : memref<10112x128xf32, #tpu.memory_space<vmem_shared>>)
      %add3A_207 = arith.constant 1 : i32
      %add3A_208 = arith.addi %add3A_173, %add3A_207 : i32
      %dma_start3A_209 = arith.constant 0 : i32
      %dma_start3A_210 = tpu.memref_slice %arg7[%add3A_208, %dma_start3A_209] : memref<40x128xi32, #tpu.memory_space<vmem>> -> memref<1x128xi32, #tpu.memory_space<vmem>>
      %dma_start3A_211 = tpu.memref_squeeze %dma_start3A_210 : memref<1x128xi32, #tpu.memory_space<vmem>> -> memref<128xi32, #tpu.memory_space<vmem>>
      %dma_start3A_212 = arith.constant 0 : i32
      %dma_start3A_213 = arith.constant 0 : i32
      %dma_start3A_214 = tpu.memref_slice %arg2[%dma_start3A_212, %dma_start3A_213] : memref<10112x128xf32, #tpu.memory_space<hbm>> -> memref<10112x128xf32, #tpu.memory_space<hbm>>
      tpu.enqueue_indirect_dma source(%dma_start3A_214 : memref<10112x128xf32, #tpu.memory_space<hbm>>) target(%arg9 : memref<128x128xf32, #tpu.memory_space<vmem>>) offsets(%dma_start3A_211 : memref<128xi32, #tpu.memory_space<vmem>>) semaphore(%arg12 : memref<!tpu.dma_semaphore, #tpu.memory_space<semaphore_mem>>)
      %dma_wait3A_215 = arith.constant 0 : i32
      %dma_wait3A_216 = tpu.memref_slice %arg7[%add3A_208, %dma_wait3A_215] : memref<40x128xi32, #tpu.memory_space<vmem>> -> memref<1x128xi32, #tpu.memory_space<vmem>>
      %dma_wait3A_217 = tpu.memref_squeeze %dma_wait3A_216 : memref<1x128xi32, #tpu.memory_space<vmem>> -> memref<128xi32, #tpu.memory_space<vmem>>
      %dma_wait3A_218 = arith.constant 0 : i32
      %dma_wait3A_219 = arith.constant 0 : i32
      %dma_wait3A_220 = tpu.memref_slice %arg2[%dma_wait3A_218, %dma_wait3A_219] : memref<10112x128xf32, #tpu.memory_space<hbm>> -> memref<10112x128xf32, #tpu.memory_space<hbm>>
      tpu.wait_indirect_dma semaphore(%arg12 : memref<!tpu.dma_semaphore, #tpu.memory_space<semaphore_mem>>) src(%dma_wait3A_220 : memref<10112x128xf32, #tpu.memory_space<hbm>>) dst(%arg9 : memref<128x128xf32, #tpu.memory_space<vmem>>)
      %add3A_221 = arith.constant 1 : i32
      %add3A_222 = arith.addi %add3A_173, %add3A_221 : i32
      %dma_start3A_223 = arith.constant 0 : i32
      %dma_start3A_224 = tpu.memref_slice %arg6[%add3A_222, %dma_start3A_223] : memref<40x128xi32, #tpu.memory_space<vmem>> -> memref<1x128xi32, #tpu.memory_space<vmem>>
      %dma_start3A_225 = tpu.memref_squeeze %dma_start3A_224 : memref<1x128xi32, #tpu.memory_space<vmem>> -> memref<128xi32, #tpu.memory_space<vmem>>
      %dma_start3A_226 = arith.constant 0 : i32
      %dma_start3A_227 = arith.constant 0 : i32
      %dma_start3A_228 = tpu.memref_slice %arg10[%dma_start3A_226, %dma_start3A_227] : memref<10112x128xf32, #tpu.memory_space<vmem_shared>> -> memref<10112x128xf32, #tpu.memory_space<vmem_shared>>
      tpu.enqueue_indirect_dma source(%arg9 : memref<128x128xf32, #tpu.memory_space<vmem>>) target(%dma_start3A_228 : memref<10112x128xf32, #tpu.memory_space<vmem_shared>>) offsets(%dma_start3A_225 : memref<128xi32, #tpu.memory_space<vmem>>) semaphore(%arg14 : memref<!tpu.dma_semaphore, #tpu.memory_space<semaphore_mem>>) {add = true}
    }
    %scan3A_79 = arith.constant 19 : i32
    %dma_wait3A_80 = arith.constant 38 : i32
    %dma_wait3A_81 = arith.constant 0 : i32
    %dma_wait3A_82 = tpu.memref_slice %arg6[%dma_wait3A_80, %dma_wait3A_81] : memref<40x128xi32, #tpu.memory_space<vmem>> -> memref<1x128xi32, #tpu.memory_space<vmem>>
    %dma_wait3A_83 = tpu.memref_squeeze %dma_wait3A_82 : memref<1x128xi32, #tpu.memory_space<vmem>> -> memref<128xi32, #tpu.memory_space<vmem>>
    %dma_wait3A_84 = arith.constant 0 : i32
    %dma_wait3A_85 = arith.constant 0 : i32
    %dma_wait3A_86 = tpu.memref_slice %arg10[%dma_wait3A_84, %dma_wait3A_85] : memref<10112x128xf32, #tpu.memory_space<vmem_shared>> -> memref<10112x128xf32, #tpu.memory_space<vmem_shared>>
    tpu.wait_indirect_dma semaphore(%arg13 : memref<!tpu.dma_semaphore, #tpu.memory_space<semaphore_mem>>) src(%arg8 : memref<128x128xf32, #tpu.memory_space<vmem>>) dst(%dma_wait3A_86 : memref<10112x128xf32, #tpu.memory_space<vmem_shared>>)
    %dma_wait3A_87 = arith.constant 39 : i32
    %dma_wait3A_88 = arith.constant 0 : i32
    %dma_wait3A_89 = tpu.memref_slice %arg6[%dma_wait3A_87, %dma_wait3A_88] : memref<40x128xi32, #tpu.memory_space<vmem>> -> memref<1x128xi32, #tpu.memory_space<vmem>>
    %dma_wait3A_90 = tpu.memref_squeeze %dma_wait3A_89 : memref<1x128xi32, #tpu.memory_space<vmem>> -> memref<128xi32, #tpu.memory_space<vmem>>
    %dma_wait3A_91 = arith.constant 0 : i32
    %dma_wait3A_92 = arith.constant 0 : i32
    %dma_wait3A_93 = tpu.memref_slice %arg10[%dma_wait3A_91, %dma_wait3A_92] : memref<10112x128xf32, #tpu.memory_space<vmem_shared>> -> memref<10112x128xf32, #tpu.memory_space<vmem_shared>>
    tpu.wait_indirect_dma semaphore(%arg14 : memref<!tpu.dma_semaphore, #tpu.memory_space<semaphore_mem>>) src(%arg9 : memref<128x128xf32, #tpu.memory_space<vmem>>) dst(%dma_wait3A_93 : memref<10112x128xf32, #tpu.memory_space<vmem_shared>>)
    %mul3A_94 = arith.constant 80 : i32
    %mul3A_95 = arith.muli %add3A, %mul3A_94 : i32
    %add3A_96 = arith.constant 40 : i32
    %add3A_97 = arith.addi %mul3A_95, %add3A_96 : i32
    "tpu.region"() ({
      %run_scoped3A = tpu.sem_alloc : memref<!tpu.dma_semaphore, #tpu.memory_space<semaphore_mem>>
      %dma_start3A_169 = arith.constant 0 : i32
      %dma_start3A_170 = tpu.memref_slice %arg3[%add3A_97, %dma_start3A_169] : memref<2560x128xi32, #tpu.memory_space<hbm>> -> memref<40x128xi32, #tpu.memory_space<hbm>>
      %dma_start3A_171 = arith.constant 0 : i32
      %dma_start3A_172 = tpu.memref_slice %arg3[%add3A_97, %dma_start3A_171] : memref<2560x128xi32, #tpu.memory_space<hbm>> -> memref<40x128xi32, #tpu.memory_space<hbm>>
      tpu.enqueue_dma source(%dma_start3A_172 : memref<40x128xi32, #tpu.memory_space<hbm>>) target(%arg6 : memref<40x128xi32, #tpu.memory_space<vmem>>) target_semaphore(%run_scoped3A : memref<!tpu.dma_semaphore, #tpu.memory_space<semaphore_mem>>)
      %dma_wait3A_173 = arith.constant 0 : i32
      %dma_wait3A_174 = tpu.memref_slice %arg3[%add3A_97, %dma_wait3A_173] : memref<2560x128xi32, #tpu.memory_space<hbm>> -> memref<40x128xi32, #tpu.memory_space<hbm>>
      %dma_wait3A_175 = arith.constant 0 : i32
      %dma_wait3A_176 = tpu.memref_slice %arg3[%add3A_97, %dma_wait3A_175] : memref<2560x128xi32, #tpu.memory_space<hbm>> -> memref<40x128xi32, #tpu.memory_space<hbm>>
      tpu.wait_dma2 semaphore(%run_scoped3A : memref<!tpu.dma_semaphore, #tpu.memory_space<semaphore_mem>>) src(%dma_wait3A_176 : memref<40x128xi32, #tpu.memory_space<hbm>>) dst(%arg6 : memref<40x128xi32, #tpu.memory_space<vmem>>)
      tpu.yield
    }) : () -> ()
    %mul3A_98 = arith.constant 80 : i32
    %mul3A_99 = arith.muli %add3A, %mul3A_98 : i32
    %add3A_100 = arith.constant 40 : i32
    %add3A_101 = arith.addi %mul3A_99, %add3A_100 : i32
    "tpu.region"() ({
      %run_scoped3A = tpu.sem_alloc : memref<!tpu.dma_semaphore, #tpu.memory_space<semaphore_mem>>
      %dma_start3A_169 = arith.constant 0 : i32
      %dma_start3A_170 = tpu.memref_slice %arg4[%add3A_101, %dma_start3A_169] : memref<2560x128xi32, #tpu.memory_space<hbm>> -> memref<40x128xi32, #tpu.memory_space<hbm>>
      %dma_start3A_171 = arith.constant 0 : i32
      %dma_start3A_172 = tpu.memref_slice %arg4[%add3A_101, %dma_start3A_171] : memref<2560x128xi32, #tpu.memory_space<hbm>> -> memref<40x128xi32, #tpu.memory_space<hbm>>
      tpu.enqueue_dma source(%dma_start3A_172 : memref<40x128xi32, #tpu.memory_space<hbm>>) target(%arg7 : memref<40x128xi32, #tpu.memory_space<vmem>>) target_semaphore(%run_scoped3A : memref<!tpu.dma_semaphore, #tpu.memory_space<semaphore_mem>>)
      %dma_wait3A_173 = arith.constant 0 : i32
      %dma_wait3A_174 = tpu.memref_slice %arg4[%add3A_101, %dma_wait3A_173] : memref<2560x128xi32, #tpu.memory_space<hbm>> -> memref<40x128xi32, #tpu.memory_space<hbm>>
      %dma_wait3A_175 = arith.constant 0 : i32
      %dma_wait3A_176 = tpu.memref_slice %arg4[%add3A_101, %dma_wait3A_175] : memref<2560x128xi32, #tpu.memory_space<hbm>> -> memref<40x128xi32, #tpu.memory_space<hbm>>
      tpu.wait_dma2 semaphore(%run_scoped3A : memref<!tpu.dma_semaphore, #tpu.memory_space<semaphore_mem>>) src(%dma_wait3A_176 : memref<40x128xi32, #tpu.memory_space<hbm>>) dst(%arg7 : memref<40x128xi32, #tpu.memory_space<vmem>>)
      tpu.yield
    }) : () -> ()
    %dma_start3A_102 = arith.constant 0 : i32
    %dma_start3A_103 = arith.constant 0 : i32
    %dma_start3A_104 = tpu.memref_slice %arg7[%dma_start3A_102, %dma_start3A_103] : memref<40x128xi32, #tpu.memory_space<vmem>> -> memref<1x128xi32, #tpu.memory_space<vmem>>
    %dma_start3A_105 = tpu.memref_squeeze %dma_start3A_104 : memref<1x128xi32, #tpu.memory_space<vmem>> -> memref<128xi32, #tpu.memory_space<vmem>>
    %dma_start3A_106 = arith.constant 0 : i32
    %dma_start3A_107 = arith.constant 0 : i32
    %dma_start3A_108 = tpu.memref_slice %arg2[%dma_start3A_106, %dma_start3A_107] : memref<10112x128xf32, #tpu.memory_space<hbm>> -> memref<10112x128xf32, #tpu.memory_space<hbm>>
    tpu.enqueue_indirect_dma source(%dma_start3A_108 : memref<10112x128xf32, #tpu.memory_space<hbm>>) target(%arg8 : memref<128x128xf32, #tpu.memory_space<vmem>>) offsets(%dma_start3A_105 : memref<128xi32, #tpu.memory_space<vmem>>) semaphore(%arg11 : memref<!tpu.dma_semaphore, #tpu.memory_space<semaphore_mem>>)
    %dma_wait3A_109 = arith.constant 0 : i32
    %dma_wait3A_110 = arith.constant 0 : i32
    %dma_wait3A_111 = tpu.memref_slice %arg7[%dma_wait3A_109, %dma_wait3A_110] : memref<40x128xi32, #tpu.memory_space<vmem>> -> memref<1x128xi32, #tpu.memory_space<vmem>>
    %dma_wait3A_112 = tpu.memref_squeeze %dma_wait3A_111 : memref<1x128xi32, #tpu.memory_space<vmem>> -> memref<128xi32, #tpu.memory_space<vmem>>
    %dma_wait3A_113 = arith.constant 0 : i32
    %dma_wait3A_114 = arith.constant 0 : i32
    %dma_wait3A_115 = tpu.memref_slice %arg2[%dma_wait3A_113, %dma_wait3A_114] : memref<10112x128xf32, #tpu.memory_space<hbm>> -> memref<10112x128xf32, #tpu.memory_space<hbm>>
    tpu.wait_indirect_dma semaphore(%arg11 : memref<!tpu.dma_semaphore, #tpu.memory_space<semaphore_mem>>) src(%dma_wait3A_115 : memref<10112x128xf32, #tpu.memory_space<hbm>>) dst(%arg8 : memref<128x128xf32, #tpu.memory_space<vmem>>)
    %dma_start3A_116 = arith.constant 0 : i32
    %dma_start3A_117 = arith.constant 0 : i32
    %dma_start3A_118 = tpu.memref_slice %arg6[%dma_start3A_116, %dma_start3A_117] : memref<40x128xi32, #tpu.memory_space<vmem>> -> memref<1x128xi32, #tpu.memory_space<vmem>>
    %dma_start3A_119 = tpu.memref_squeeze %dma_start3A_118 : memref<1x128xi32, #tpu.memory_space<vmem>> -> memref<128xi32, #tpu.memory_space<vmem>>
    %dma_start3A_120 = arith.constant 0 : i32
    %dma_start3A_121 = arith.constant 0 : i32
    %dma_start3A_122 = tpu.memref_slice %arg10[%dma_start3A_120, %dma_start3A_121] : memref<10112x128xf32, #tpu.memory_space<vmem_shared>> -> memref<10112x128xf32, #tpu.memory_space<vmem_shared>>
    tpu.enqueue_indirect_dma source(%arg8 : memref<128x128xf32, #tpu.memory_space<vmem>>) target(%dma_start3A_122 : memref<10112x128xf32, #tpu.memory_space<vmem_shared>>) offsets(%dma_start3A_119 : memref<128xi32, #tpu.memory_space<vmem>>) semaphore(%arg13 : memref<!tpu.dma_semaphore, #tpu.memory_space<semaphore_mem>>) {add = true}
    %dma_start3A_123 = arith.constant 1 : i32
    %dma_start3A_124 = arith.constant 0 : i32
    %dma_start3A_125 = tpu.memref_slice %arg7[%dma_start3A_123, %dma_start3A_124] : memref<40x128xi32, #tpu.memory_space<vmem>> -> memref<1x128xi32, #tpu.memory_space<vmem>>
    %dma_start3A_126 = tpu.memref_squeeze %dma_start3A_125 : memref<1x128xi32, #tpu.memory_space<vmem>> -> memref<128xi32, #tpu.memory_space<vmem>>
    %dma_start3A_127 = arith.constant 0 : i32
    %dma_start3A_128 = arith.constant 0 : i32
    %dma_start3A_129 = tpu.memref_slice %arg2[%dma_start3A_127, %dma_start3A_128] : memref<10112x128xf32, #tpu.memory_space<hbm>> -> memref<10112x128xf32, #tpu.memory_space<hbm>>
    tpu.enqueue_indirect_dma source(%dma_start3A_129 : memref<10112x128xf32, #tpu.memory_space<hbm>>) target(%arg9 : memref<128x128xf32, #tpu.memory_space<vmem>>) offsets(%dma_start3A_126 : memref<128xi32, #tpu.memory_space<vmem>>) semaphore(%arg12 : memref<!tpu.dma_semaphore, #tpu.memory_space<semaphore_mem>>)
    %dma_wait3A_130 = arith.constant 1 : i32
    %dma_wait3A_131 = arith.constant 0 : i32
    %dma_wait3A_132 = tpu.memref_slice %arg7[%dma_wait3A_130, %dma_wait3A_131] : memref<40x128xi32, #tpu.memory_space<vmem>> -> memref<1x128xi32, #tpu.memory_space<vmem>>
    %dma_wait3A_133 = tpu.memref_squeeze %dma_wait3A_132 : memref<1x128xi32, #tpu.memory_space<vmem>> -> memref<128xi32, #tpu.memory_space<vmem>>
    %dma_wait3A_134 = arith.constant 0 : i32
    %dma_wait3A_135 = arith.constant 0 : i32
    %dma_wait3A_136 = tpu.memref_slice %arg2[%dma_wait3A_134, %dma_wait3A_135] : memref<10112x128xf32, #tpu.memory_space<hbm>> -> memref<10112x128xf32, #tpu.memory_space<hbm>>
    tpu.wait_indirect_dma semaphore(%arg12 : memref<!tpu.dma_semaphore, #tpu.memory_space<semaphore_mem>>) src(%dma_wait3A_136 : memref<10112x128xf32, #tpu.memory_space<hbm>>) dst(%arg9 : memref<128x128xf32, #tpu.memory_space<vmem>>)
    %dma_start3A_137 = arith.constant 1 : i32
    %dma_start3A_138 = arith.constant 0 : i32
    %dma_start3A_139 = tpu.memref_slice %arg6[%dma_start3A_137, %dma_start3A_138] : memref<40x128xi32, #tpu.memory_space<vmem>> -> memref<1x128xi32, #tpu.memory_space<vmem>>
    %dma_start3A_140 = tpu.memref_squeeze %dma_start3A_139 : memref<1x128xi32, #tpu.memory_space<vmem>> -> memref<128xi32, #tpu.memory_space<vmem>>
    %dma_start3A_141 = arith.constant 0 : i32
    %dma_start3A_142 = arith.constant 0 : i32
    %dma_start3A_143 = tpu.memref_slice %arg10[%dma_start3A_141, %dma_start3A_142] : memref<10112x128xf32, #tpu.memory_space<vmem_shared>> -> memref<10112x128xf32, #tpu.memory_space<vmem_shared>>
    tpu.enqueue_indirect_dma source(%arg9 : memref<128x128xf32, #tpu.memory_space<vmem>>) target(%dma_start3A_143 : memref<10112x128xf32, #tpu.memory_space<vmem_shared>>) offsets(%dma_start3A_140 : memref<128xi32, #tpu.memory_space<vmem>>) semaphore(%arg14 : memref<!tpu.dma_semaphore, #tpu.memory_space<semaphore_mem>>) {add = true}
    %scan3A_144 = arith.constant 0 : i32
    %scan3A_145 = arith.constant 0 : i32
    %scan3A_146 = arith.constant 19 : i32
    %scan3A_147 = arith.addi %scan3A_145, %scan3A_146 : i32
    %scan3A_148 = arith.constant 1 : i32
    scf.for %scan3A_169 = %scan3A_145 to %scan3A_147 step %scan3A_148  : i32 {
      %mul3A_170 = arith.constant 2 : i32
      %mul3A_171 = arith.muli %mul3A_170, %scan3A_169 : i32
      %add3A_172 = arith.constant 2 : i32
      %add3A_173 = arith.addi %mul3A_171, %add3A_172 : i32
      %sub3A = arith.constant 2 : i32
      %sub3A_174 = arith.subi %add3A_173, %sub3A : i32
      %dma_wait3A_175 = arith.constant 0 : i32
      %dma_wait3A_176 = tpu.memref_slice %arg6[%sub3A_174, %dma_wait3A_175] : memref<40x128xi32, #tpu.memory_space<vmem>> -> memref<1x128xi32, #tpu.memory_space<vmem>>
      %dma_wait3A_177 = tpu.memref_squeeze %dma_wait3A_176 : memref<1x128xi32, #tpu.memory_space<vmem>> -> memref<128xi32, #tpu.memory_space<vmem>>
      %dma_wait3A_178 = arith.constant 0 : i32
      %dma_wait3A_179 = arith.constant 0 : i32
      %dma_wait3A_180 = tpu.memref_slice %arg10[%dma_wait3A_178, %dma_wait3A_179] : memref<10112x128xf32, #tpu.memory_space<vmem_shared>> -> memref<10112x128xf32, #tpu.memory_space<vmem_shared>>
      tpu.wait_indirect_dma semaphore(%arg13 : memref<!tpu.dma_semaphore, #tpu.memory_space<semaphore_mem>>) src(%arg8 : memref<128x128xf32, #tpu.memory_space<vmem>>) dst(%dma_wait3A_180 : memref<10112x128xf32, #tpu.memory_space<vmem_shared>>)
      %dma_start3A_181 = arith.constant 0 : i32
      %dma_start3A_182 = tpu.memref_slice %arg7[%add3A_173, %dma_start3A_181] : memref<40x128xi32, #tpu.memory_space<vmem>> -> memref<1x128xi32, #tpu.memory_space<vmem>>
      %dma_start3A_183 = tpu.memref_squeeze %dma_start3A_182 : memref<1x128xi32, #tpu.memory_space<vmem>> -> memref<128xi32, #tpu.memory_space<vmem>>
      %dma_start3A_184 = arith.constant 0 : i32
      %dma_start3A_185 = arith.constant 0 : i32
      %dma_start3A_186 = tpu.memref_slice %arg2[%dma_start3A_184, %dma_start3A_185] : memref<10112x128xf32, #tpu.memory_space<hbm>> -> memref<10112x128xf32, #tpu.memory_space<hbm>>
      tpu.enqueue_indirect_dma source(%dma_start3A_186 : memref<10112x128xf32, #tpu.memory_space<hbm>>) target(%arg8 : memref<128x128xf32, #tpu.memory_space<vmem>>) offsets(%dma_start3A_183 : memref<128xi32, #tpu.memory_space<vmem>>) semaphore(%arg11 : memref<!tpu.dma_semaphore, #tpu.memory_space<semaphore_mem>>)
      %dma_wait3A_187 = arith.constant 0 : i32
      %dma_wait3A_188 = tpu.memref_slice %arg7[%add3A_173, %dma_wait3A_187] : memref<40x128xi32, #tpu.memory_space<vmem>> -> memref<1x128xi32, #tpu.memory_space<vmem>>
      %dma_wait3A_189 = tpu.memref_squeeze %dma_wait3A_188 : memref<1x128xi32, #tpu.memory_space<vmem>> -> memref<128xi32, #tpu.memory_space<vmem>>
      %dma_wait3A_190 = arith.constant 0 : i32
      %dma_wait3A_191 = arith.constant 0 : i32
      %dma_wait3A_192 = tpu.memref_slice %arg2[%dma_wait3A_190, %dma_wait3A_191] : memref<10112x128xf32, #tpu.memory_space<hbm>> -> memref<10112x128xf32, #tpu.memory_space<hbm>>
      tpu.wait_indirect_dma semaphore(%arg11 : memref<!tpu.dma_semaphore, #tpu.memory_space<semaphore_mem>>) src(%dma_wait3A_192 : memref<10112x128xf32, #tpu.memory_space<hbm>>) dst(%arg8 : memref<128x128xf32, #tpu.memory_space<vmem>>)
      %dma_start3A_193 = arith.constant 0 : i32
      %dma_start3A_194 = tpu.memref_slice %arg6[%add3A_173, %dma_start3A_193] : memref<40x128xi32, #tpu.memory_space<vmem>> -> memref<1x128xi32, #tpu.memory_space<vmem>>
      %dma_start3A_195 = tpu.memref_squeeze %dma_start3A_194 : memref<1x128xi32, #tpu.memory_space<vmem>> -> memref<128xi32, #tpu.memory_space<vmem>>
      %dma_start3A_196 = arith.constant 0 : i32
      %dma_start3A_197 = arith.constant 0 : i32
      %dma_start3A_198 = tpu.memref_slice %arg10[%dma_start3A_196, %dma_start3A_197] : memref<10112x128xf32, #tpu.memory_space<vmem_shared>> -> memref<10112x128xf32, #tpu.memory_space<vmem_shared>>
      tpu.enqueue_indirect_dma source(%arg8 : memref<128x128xf32, #tpu.memory_space<vmem>>) target(%dma_start3A_198 : memref<10112x128xf32, #tpu.memory_space<vmem_shared>>) offsets(%dma_start3A_195 : memref<128xi32, #tpu.memory_space<vmem>>) semaphore(%arg13 : memref<!tpu.dma_semaphore, #tpu.memory_space<semaphore_mem>>) {add = true}
      %sub3A_199 = arith.constant 1 : i32
      %sub3A_200 = arith.subi %add3A_173, %sub3A_199 : i32
      %dma_wait3A_201 = arith.constant 0 : i32
      %dma_wait3A_202 = tpu.memref_slice %arg6[%sub3A_200, %dma_wait3A_201] : memref<40x128xi32, #tpu.memory_space<vmem>> -> memref<1x128xi32, #tpu.memory_space<vmem>>
      %dma_wait3A_203 = tpu.memref_squeeze %dma_wait3A_202 : memref<1x128xi32, #tpu.memory_space<vmem>> -> memref<128xi32, #tpu.memory_space<vmem>>
      %dma_wait3A_204 = arith.constant 0 : i32
      %dma_wait3A_205 = arith.constant 0 : i32
      %dma_wait3A_206 = tpu.memref_slice %arg10[%dma_wait3A_204, %dma_wait3A_205] : memref<10112x128xf32, #tpu.memory_space<vmem_shared>> -> memref<10112x128xf32, #tpu.memory_space<vmem_shared>>
      tpu.wait_indirect_dma semaphore(%arg14 : memref<!tpu.dma_semaphore, #tpu.memory_space<semaphore_mem>>) src(%arg9 : memref<128x128xf32, #tpu.memory_space<vmem>>) dst(%dma_wait3A_206 : memref<10112x128xf32, #tpu.memory_space<vmem_shared>>)
      %add3A_207 = arith.constant 1 : i32
      %add3A_208 = arith.addi %add3A_173, %add3A_207 : i32
      %dma_start3A_209 = arith.constant 0 : i32
      %dma_start3A_210 = tpu.memref_slice %arg7[%add3A_208, %dma_start3A_209] : memref<40x128xi32, #tpu.memory_space<vmem>> -> memref<1x128xi32, #tpu.memory_space<vmem>>
      %dma_start3A_211 = tpu.memref_squeeze %dma_start3A_210 : memref<1x128xi32, #tpu.memory_space<vmem>> -> memref<128xi32, #tpu.memory_space<vmem>>
      %dma_start3A_212 = arith.constant 0 : i32
      %dma_start3A_213 = arith.constant 0 : i32
      %dma_start3A_214 = tpu.memref_slice %arg2[%dma_start3A_212, %dma_start3A_213] : memref<10112x128xf32, #tpu.memory_space<hbm>> -> memref<10112x128xf32, #tpu.memory_space<hbm>>
      tpu.enqueue_indirect_dma source(%dma_start3A_214 : memref<10112x128xf32, #tpu.memory_space<hbm>>) target(%arg9 : memref<128x128xf32, #tpu.memory_space<vmem>>) offsets(%dma_start3A_211 : memref<128xi32, #tpu.memory_space<vmem>>) semaphore(%arg12 : memref<!tpu.dma_semaphore, #tpu.memory_space<semaphore_mem>>)
      %dma_wait3A_215 = arith.constant 0 : i32
      %dma_wait3A_216 = tpu.memref_slice %arg7[%add3A_208, %dma_wait3A_215] : memref<40x128xi32, #tpu.memory_space<vmem>> -> memref<1x128xi32, #tpu.memory_space<vmem>>
      %dma_wait3A_217 = tpu.memref_squeeze %dma_wait3A_216 : memref<1x128xi32, #tpu.memory_space<vmem>> -> memref<128xi32, #tpu.memory_space<vmem>>
      %dma_wait3A_218 = arith.constant 0 : i32
      %dma_wait3A_219 = arith.constant 0 : i32
      %dma_wait3A_220 = tpu.memref_slice %arg2[%dma_wait3A_218, %dma_wait3A_219] : memref<10112x128xf32, #tpu.memory_space<hbm>> -> memref<10112x128xf32, #tpu.memory_space<hbm>>
      tpu.wait_indirect_dma semaphore(%arg12 : memref<!tpu.dma_semaphore, #tpu.memory_space<semaphore_mem>>) src(%dma_wait3A_220 : memref<10112x128xf32, #tpu.memory_space<hbm>>) dst(%arg9 : memref<128x128xf32, #tpu.memory_space<vmem>>)
      %add3A_221 = arith.constant 1 : i32
      %add3A_222 = arith.addi %add3A_173, %add3A_221 : i32
      %dma_start3A_223 = arith.constant 0 : i32
      %dma_start3A_224 = tpu.memref_slice %arg6[%add3A_222, %dma_start3A_223] : memref<40x128xi32, #tpu.memory_space<vmem>> -> memref<1x128xi32, #tpu.memory_space<vmem>>
      %dma_start3A_225 = tpu.memref_squeeze %dma_start3A_224 : memref<1x128xi32, #tpu.memory_space<vmem>> -> memref<128xi32, #tpu.memory_space<vmem>>
      %dma_start3A_226 = arith.constant 0 : i32
      %dma_start3A_227 = arith.constant 0 : i32
      %dma_start3A_228 = tpu.memref_slice %arg10[%dma_start3A_226, %dma_start3A_227] : memref<10112x128xf32, #tpu.memory_space<vmem_shared>> -> memref<10112x128xf32, #tpu.memory_space<vmem_shared>>
      tpu.enqueue_indirect_dma source(%arg9 : memref<128x128xf32, #tpu.memory_space<vmem>>) target(%dma_start3A_228 : memref<10112x128xf32, #tpu.memory_space<vmem_shared>>) offsets(%dma_start3A_225 : memref<128xi32, #tpu.memory_space<vmem>>) semaphore(%arg14 : memref<!tpu.dma_semaphore, #tpu.memory_space<semaphore_mem>>) {add = true}
    }
    %scan3A_149 = arith.constant 19 : i32
    %dma_wait3A_150 = arith.constant 38 : i32
    %dma_wait3A_151 = arith.constant 0 : i32
    %dma_wait3A_152 = tpu.memref_slice %arg6[%dma_wait3A_150, %dma_wait3A_151] : memref<40x128xi32, #tpu.memory_space<vmem>> -> memref<1x128xi32, #tpu.memory_space<vmem>>
    %dma_wait3A_153 = tpu.memref_squeeze %dma_wait3A_152 : memref<1x128xi32, #tpu.memory_space<vmem>> -> memref<128xi32, #tpu.memory_space<vmem>>
    %dma_wait3A_154 = arith.constant 0 : i32
    %dma_wait3A_155 = arith.constant 0 : i32
    %dma_wait3A_156 = tpu.memref_slice %arg10[%dma_wait3A_154, %dma_wait3A_155] : memref<10112x128xf32, #tpu.memory_space<vmem_shared>> -> memref<10112x128xf32, #tpu.memory_space<vmem_shared>>
    tpu.wait_indirect_dma semaphore(%arg13 : memref<!tpu.dma_semaphore, #tpu.memory_space<semaphore_mem>>) src(%arg8 : memref<128x128xf32, #tpu.memory_space<vmem>>) dst(%dma_wait3A_156 : memref<10112x128xf32, #tpu.memory_space<vmem_shared>>)
    %dma_wait3A_157 = arith.constant 39 : i32
    %dma_wait3A_158 = arith.constant 0 : i32
    %dma_wait3A_159 = tpu.memref_slice %arg6[%dma_wait3A_157, %dma_wait3A_158] : memref<40x128xi32, #tpu.memory_space<vmem>> -> memref<1x128xi32, #tpu.memory_space<vmem>>
    %dma_wait3A_160 = tpu.memref_squeeze %dma_wait3A_159 : memref<1x128xi32, #tpu.memory_space<vmem>> -> memref<128xi32, #tpu.memory_space<vmem>>
    %dma_wait3A_161 = arith.constant 0 : i32
    %dma_wait3A_162 = arith.constant 0 : i32
    %dma_wait3A_163 = tpu.memref_slice %arg10[%dma_wait3A_161, %dma_wait3A_162] : memref<10112x128xf32, #tpu.memory_space<vmem_shared>> -> memref<10112x128xf32, #tpu.memory_space<vmem_shared>>
    tpu.wait_indirect_dma semaphore(%arg14 : memref<!tpu.dma_semaphore, #tpu.memory_space<semaphore_mem>>) src(%arg9 : memref<128x128xf32, #tpu.memory_space<vmem>>) dst(%dma_wait3A_163 : memref<10112x128xf32, #tpu.memory_space<vmem_shared>>)
    %barrier3A_164 = arith.constant 0 : index
    tpu.barrier barrier_id(%barrier3A_164)
    %mul3A_165 = arith.constant 632 : i32
    %mul3A_166 = arith.muli %arg1, %mul3A_165 : i32
    %mul3A_167 = arith.constant 632 : i32
    %mul3A_168 = arith.muli %arg1, %mul3A_167 : i32
    "tpu.region"() ({
      %run_scoped3A = tpu.sem_alloc : memref<!tpu.dma_semaphore, #tpu.memory_space<semaphore_mem>>
      %dma_start3A_169 = arith.constant 0 : i32
      %dma_start3A_170 = tpu.memref_slice %arg5[%arg0, %mul3A_168, %dma_start3A_169] : memref<2x10112x128xf32, #tpu.memory_space<hbm>> -> memref<1x632x128xf32, #tpu.memory_space<hbm>>
      %dma_start3A_171 = tpu.memref_squeeze %dma_start3A_170 : memref<1x632x128xf32, #tpu.memory_space<hbm>> -> memref<632x128xf32, #tpu.memory_space<hbm>>
      %dma_start3A_172 = arith.constant 0 : i32
      %dma_start3A_173 = tpu.memref_slice %arg10[%mul3A_166, %dma_start3A_172] : memref<10112x128xf32, #tpu.memory_space<vmem_shared>> -> memref<632x128xf32, #tpu.memory_space<vmem_shared>>
      tpu.enqueue_dma source(%dma_start3A_173 : memref<632x128xf32, #tpu.memory_space<vmem_shared>>) target(%dma_start3A_171 : memref<632x128xf32, #tpu.memory_space<hbm>>) target_semaphore(%run_scoped3A : memref<!tpu.dma_semaphore, #tpu.memory_space<semaphore_mem>>)
      %dma_wait3A_174 = arith.constant 0 : i32
      %dma_wait3A_175 = tpu.memref_slice %arg5[%arg0, %mul3A_168, %dma_wait3A_174] : memref<2x10112x128xf32, #tpu.memory_space<hbm>> -> memref<1x632x128xf32, #tpu.memory_space<hbm>>
      %dma_wait3A_176 = tpu.memref_squeeze %dma_wait3A_175 : memref<1x632x128xf32, #tpu.memory_space<hbm>> -> memref<632x128xf32, #tpu.memory_space<hbm>>
      %dma_wait3A_177 = arith.constant 0 : i32
      %dma_wait3A_178 = tpu.memref_slice %arg10[%mul3A_166, %dma_wait3A_177] : memref<10112x128xf32, #tpu.memory_space<vmem_shared>> -> memref<632x128xf32, #tpu.memory_space<vmem_shared>>
      tpu.wait_dma2 semaphore(%run_scoped3A : memref<!tpu.dma_semaphore, #tpu.memory_space<semaphore_mem>>) src(%dma_wait3A_178 : memref<632x128xf32, #tpu.memory_space<vmem_shared>>) dst(%dma_wait3A_176 : memref<632x128xf32, #tpu.memory_space<hbm>>)
      tpu.yield
    }) : () -> ()
    return
  }
}

#map = affine_map<(d0, d1) -> (0, 0)>
#map1 = affine_map<(d0, d1) -> (0)>
module attributes {stable_mosaic.version = 14 : i64} {
  func.func @_sc_deg(%arg0: i32, %arg1: i32, %arg2: memref<2560x128xi32, #tpu.memory_space<hbm>>, %arg3: memref<20480xf32, #tpu.memory_space<hbm>>, %arg4: memref<80x128xi32, #tpu.memory_space<vmem>>, %arg5: memref<128xf32, #tpu.memory_space<vmem>>, %arg6: memref<640xf32, #tpu.memory_space<vmem>>, %arg7: memref<10240xf32, #tpu.memory_space<vmem_shared>>) attributes {dimension_semantics = [#tpu.dimension_semantics<core_parallel>, #tpu.dimension_semantics<subcore_parallel>], iteration_bounds = array<i64: 2, 16>, scalar_prefetch = 0 : i64, scratch_operands = 4 : i64, tpu.core_type = #tpu.core_type<sc_vector_subcore>, window_params = [{transform_indices = #map}, {transform_indices = #map1}]} {
    %mul3A = arith.constant 16 : i32
    %mul3A_0 = arith.muli %arg0, %mul3A : i32
    %add3A = arith.addi %mul3A_0, %arg1 : i32
    %broadcast_in_dim3A = arith.constant 1.000000e+00 : f32
    %broadcast_in_dim3A_1 = vector.broadcast %broadcast_in_dim3A : f32 to vector<16xf32>
    %swap3A = arith.constant 0 : index
    %swap3A_2 = tpu.vector_load %arg5[%swap3A] {strides = array<i32>} : memref<128xf32, #tpu.memory_space<vmem>>, vector<16xf32>,
    %swap3A_3 = vector.shape_cast %swap3A_2 : vector<16xf32> to vector<16xf32>
    %swap3A_4 = vector.shape_cast %broadcast_in_dim3A_1 : vector<16xf32> to vector<16xf32>
    tpu.vector_store %arg5[%swap3A], %swap3A_4 {strides = array<i32>} : memref<128xf32, #tpu.memory_space<vmem>>, vector<16xf32>,
    %broadcast_in_dim3A_5 = arith.constant 1.000000e+00 : f32
    %broadcast_in_dim3A_6 = vector.broadcast %broadcast_in_dim3A_5 : f32 to vector<16xf32>
    %swap3A_7 = arith.constant 16 : index
    %swap3A_8 = tpu.vector_load %arg5[%swap3A_7] {strides = array<i32>} : memref<128xf32, #tpu.memory_space<vmem>>, vector<16xf32>,
    %swap3A_9 = vector.shape_cast %swap3A_8 : vector<16xf32> to vector<16xf32>
    %swap3A_10 = vector.shape_cast %broadcast_in_dim3A_6 : vector<16xf32> to vector<16xf32>
    tpu.vector_store %arg5[%swap3A_7], %swap3A_10 {strides = array<i32>} : memref<128xf32, #tpu.memory_space<vmem>>, vector<16xf32>,
    %broadcast_in_dim3A_11 = arith.constant 1.000000e+00 : f32
    %broadcast_in_dim3A_12 = vector.broadcast %broadcast_in_dim3A_11 : f32 to vector<16xf32>
    %swap3A_13 = arith.constant 32 : index
    %swap3A_14 = tpu.vector_load %arg5[%swap3A_13] {strides = array<i32>} : memref<128xf32, #tpu.memory_space<vmem>>, vector<16xf32>,
    %swap3A_15 = vector.shape_cast %swap3A_14 : vector<16xf32> to vector<16xf32>
    %swap3A_16 = vector.shape_cast %broadcast_in_dim3A_12 : vector<16xf32> to vector<16xf32>
    tpu.vector_store %arg5[%swap3A_13], %swap3A_16 {strides = array<i32>} : memref<128xf32, #tpu.memory_space<vmem>>, vector<16xf32>,
    %broadcast_in_dim3A_17 = arith.constant 1.000000e+00 : f32
    %broadcast_in_dim3A_18 = vector.broadcast %broadcast_in_dim3A_17 : f32 to vector<16xf32>
    %swap3A_19 = arith.constant 48 : index
    %swap3A_20 = tpu.vector_load %arg5[%swap3A_19] {strides = array<i32>} : memref<128xf32, #tpu.memory_space<vmem>>, vector<16xf32>,
    %swap3A_21 = vector.shape_cast %swap3A_20 : vector<16xf32> to vector<16xf32>
    %swap3A_22 = vector.shape_cast %broadcast_in_dim3A_18 : vector<16xf32> to vector<16xf32>
    tpu.vector_store %arg5[%swap3A_19], %swap3A_22 {strides = array<i32>} : memref<128xf32, #tpu.memory_space<vmem>>, vector<16xf32>,
    %broadcast_in_dim3A_23 = arith.constant 1.000000e+00 : f32
    %broadcast_in_dim3A_24 = vector.broadcast %broadcast_in_dim3A_23 : f32 to vector<16xf32>
    %swap3A_25 = arith.constant 64 : index
    %swap3A_26 = tpu.vector_load %arg5[%swap3A_25] {strides = array<i32>} : memref<128xf32, #tpu.memory_space<vmem>>, vector<16xf32>,
    %swap3A_27 = vector.shape_cast %swap3A_26 : vector<16xf32> to vector<16xf32>
    %swap3A_28 = vector.shape_cast %broadcast_in_dim3A_24 : vector<16xf32> to vector<16xf32>
    tpu.vector_store %arg5[%swap3A_25], %swap3A_28 {strides = array<i32>} : memref<128xf32, #tpu.memory_space<vmem>>, vector<16xf32>,
    %broadcast_in_dim3A_29 = arith.constant 1.000000e+00 : f32
    %broadcast_in_dim3A_30 = vector.broadcast %broadcast_in_dim3A_29 : f32 to vector<16xf32>
    %swap3A_31 = arith.constant 80 : index
    %swap3A_32 = tpu.vector_load %arg5[%swap3A_31] {strides = array<i32>} : memref<128xf32, #tpu.memory_space<vmem>>, vector<16xf32>,
    %swap3A_33 = vector.shape_cast %swap3A_32 : vector<16xf32> to vector<16xf32>
    %swap3A_34 = vector.shape_cast %broadcast_in_dim3A_30 : vector<16xf32> to vector<16xf32>
    tpu.vector_store %arg5[%swap3A_31], %swap3A_34 {strides = array<i32>} : memref<128xf32, #tpu.memory_space<vmem>>, vector<16xf32>,
    %broadcast_in_dim3A_35 = arith.constant 1.000000e+00 : f32
    %broadcast_in_dim3A_36 = vector.broadcast %broadcast_in_dim3A_35 : f32 to vector<16xf32>
    %swap3A_37 = arith.constant 96 : index
    %swap3A_38 = tpu.vector_load %arg5[%swap3A_37] {strides = array<i32>} : memref<128xf32, #tpu.memory_space<vmem>>, vector<16xf32>,
    %swap3A_39 = vector.shape_cast %swap3A_38 : vector<16xf32> to vector<16xf32>
    %swap3A_40 = vector.shape_cast %broadcast_in_dim3A_36 : vector<16xf32> to vector<16xf32>
    tpu.vector_store %arg5[%swap3A_37], %swap3A_40 {strides = array<i32>} : memref<128xf32, #tpu.memory_space<vmem>>, vector<16xf32>,
    %broadcast_in_dim3A_41 = arith.constant 1.000000e+00 : f32
    %broadcast_in_dim3A_42 = vector.broadcast %broadcast_in_dim3A_41 : f32 to vector<16xf32>
    %swap3A_43 = arith.constant 112 : index
    %swap3A_44 = tpu.vector_load %arg5[%swap3A_43] {strides = array<i32>} : memref<128xf32, #tpu.memory_space<vmem>>, vector<16xf32>,
    %swap3A_45 = vector.shape_cast %swap3A_44 : vector<16xf32> to vector<16xf32>
    %swap3A_46 = vector.shape_cast %broadcast_in_dim3A_42 : vector<16xf32> to vector<16xf32>
    tpu.vector_store %arg5[%swap3A_43], %swap3A_46 {strides = array<i32>} : memref<128xf32, #tpu.memory_space<vmem>>, vector<16xf32>,
    %broadcast_in_dim3A_47 = arith.constant 0.000000e+00 : f32
    %broadcast_in_dim3A_48 = vector.broadcast %broadcast_in_dim3A_47 : f32 to vector<16xf32>
    %swap3A_49 = arith.constant 0 : index
    %swap3A_50 = tpu.vector_load %arg6[%swap3A_49] {strides = array<i32>} : memref<640xf32, #tpu.memory_space<vmem>>, vector<16xf32>,
    %swap3A_51 = vector.shape_cast %swap3A_50 : vector<16xf32> to vector<16xf32>
    %swap3A_52 = vector.shape_cast %broadcast_in_dim3A_48 : vector<16xf32> to vector<16xf32>
    tpu.vector_store %arg6[%swap3A_49], %swap3A_52 {strides = array<i32>} : memref<640xf32, #tpu.memory_space<vmem>>, vector<16xf32>,
    %broadcast_in_dim3A_53 = arith.constant 0.000000e+00 : f32
    %broadcast_in_dim3A_54 = vector.broadcast %broadcast_in_dim3A_53 : f32 to vector<16xf32>
    %swap3A_55 = arith.constant 16 : index
    %swap3A_56 = tpu.vector_load %arg6[%swap3A_55] {strides = array<i32>} : memref<640xf32, #tpu.memory_space<vmem>>, vector<16xf32>,
    %swap3A_57 = vector.shape_cast %swap3A_56 : vector<16xf32> to vector<16xf32>
    %swap3A_58 = vector.shape_cast %broadcast_in_dim3A_54 : vector<16xf32> to vector<16xf32>
    tpu.vector_store %arg6[%swap3A_55], %swap3A_58 {strides = array<i32>} : memref<640xf32, #tpu.memory_space<vmem>>, vector<16xf32>,
    %broadcast_in_dim3A_59 = arith.constant 0.000000e+00 : f32
    %broadcast_in_dim3A_60 = vector.broadcast %broadcast_in_dim3A_59 : f32 to vector<16xf32>
    %swap3A_61 = arith.constant 32 : index
    %swap3A_62 = tpu.vector_load %arg6[%swap3A_61] {strides = array<i32>} : memref<640xf32, #tpu.memory_space<vmem>>, vector<16xf32>,
    %swap3A_63 = vector.shape_cast %swap3A_62 : vector<16xf32> to vector<16xf32>
    %swap3A_64 = vector.shape_cast %broadcast_in_dim3A_60 : vector<16xf32> to vector<16xf32>
    tpu.vector_store %arg6[%swap3A_61], %swap3A_64 {strides = array<i32>} : memref<640xf32, #tpu.memory_space<vmem>>, vector<16xf32>,
    %broadcast_in_dim3A_65 = arith.constant 0.000000e+00 : f32
    %broadcast_in_dim3A_66 = vector.broadcast %broadcast_in_dim3A_65 : f32 to vector<16xf32>
    %swap3A_67 = arith.constant 48 : index
    %swap3A_68 = tpu.vector_load %arg6[%swap3A_67] {strides = array<i32>} : memref<640xf32, #tpu.memory_space<vmem>>, vector<16xf32>,
    %swap3A_69 = vector.shape_cast %swap3A_68 : vector<16xf32> to vector<16xf32>
    %swap3A_70 = vector.shape_cast %broadcast_in_dim3A_66 : vector<16xf32> to vector<16xf32>
    tpu.vector_store %arg6[%swap3A_67], %swap3A_70 {strides = array<i32>} : memref<640xf32, #tpu.memory_space<vmem>>, vector<16xf32>,
    %broadcast_in_dim3A_71 = arith.constant 0.000000e+00 : f32
    %broadcast_in_dim3A_72 = vector.broadcast %broadcast_in_dim3A_71 : f32 to vector<16xf32>
    %swap3A_73 = arith.constant 64 : index
    %swap3A_74 = tpu.vector_load %arg6[%swap3A_73] {strides = array<i32>} : memref<640xf32, #tpu.memory_space<vmem>>, vector<16xf32>,
    %swap3A_75 = vector.shape_cast %swap3A_74 : vector<16xf32> to vector<16xf32>
    %swap3A_76 = vector.shape_cast %broadcast_in_dim3A_72 : vector<16xf32> to vector<16xf32>
    tpu.vector_store %arg6[%swap3A_73], %swap3A_76 {strides = array<i32>} : memref<640xf32, #tpu.memory_space<vmem>>, vector<16xf32>,
    %broadcast_in_dim3A_77 = arith.constant 0.000000e+00 : f32
    %broadcast_in_dim3A_78 = vector.broadcast %broadcast_in_dim3A_77 : f32 to vector<16xf32>
    %swap3A_79 = arith.constant 80 : index
    %swap3A_80 = tpu.vector_load %arg6[%swap3A_79] {strides = array<i32>} : memref<640xf32, #tpu.memory_space<vmem>>, vector<16xf32>,
    %swap3A_81 = vector.shape_cast %swap3A_80 : vector<16xf32> to vector<16xf32>
    %swap3A_82 = vector.shape_cast %broadcast_in_dim3A_78 : vector<16xf32> to vector<16xf32>
    tpu.vector_store %arg6[%swap3A_79], %swap3A_82 {strides = array<i32>} : memref<640xf32, #tpu.memory_space<vmem>>, vector<16xf32>,
    %broadcast_in_dim3A_83 = arith.constant 0.000000e+00 : f32
    %broadcast_in_dim3A_84 = vector.broadcast %broadcast_in_dim3A_83 : f32 to vector<16xf32>
    %swap3A_85 = arith.constant 96 : index
    %swap3A_86 = tpu.vector_load %arg6[%swap3A_85] {strides = array<i32>} : memref<640xf32, #tpu.memory_space<vmem>>, vector<16xf32>,
    %swap3A_87 = vector.shape_cast %swap3A_86 : vector<16xf32> to vector<16xf32>
    %swap3A_88 = vector.shape_cast %broadcast_in_dim3A_84 : vector<16xf32> to vector<16xf32>
    tpu.vector_store %arg6[%swap3A_85], %swap3A_88 {strides = array<i32>} : memref<640xf32, #tpu.memory_space<vmem>>, vector<16xf32>,
    %broadcast_in_dim3A_89 = arith.constant 0.000000e+00 : f32
    %broadcast_in_dim3A_90 = vector.broadcast %broadcast_in_dim3A_89 : f32 to vector<16xf32>
    %swap3A_91 = arith.constant 112 : index
    %swap3A_92 = tpu.vector_load %arg6[%swap3A_91] {strides = array<i32>} : memref<640xf32, #tpu.memory_space<vmem>>, vector<16xf32>,
    %swap3A_93 = vector.shape_cast %swap3A_92 : vector<16xf32> to vector<16xf32>
    %swap3A_94 = vector.shape_cast %broadcast_in_dim3A_90 : vector<16xf32> to vector<16xf32>
    tpu.vector_store %arg6[%swap3A_91], %swap3A_94 {strides = array<i32>} : memref<640xf32, #tpu.memory_space<vmem>>, vector<16xf32>,
    %broadcast_in_dim3A_95 = arith.constant 0.000000e+00 : f32
    %broadcast_in_dim3A_96 = vector.broadcast %broadcast_in_dim3A_95 : f32 to vector<16xf32>
    %swap3A_97 = arith.constant 128 : index
    %swap3A_98 = tpu.vector_load %arg6[%swap3A_97] {strides = array<i32>} : memref<640xf32, #tpu.memory_space<vmem>>, vector<16xf32>,
    %swap3A_99 = vector.shape_cast %swap3A_98 : vector<16xf32> to vector<16xf32>
    %swap3A_100 = vector.shape_cast %broadcast_in_dim3A_96 : vector<16xf32> to vector<16xf32>
    tpu.vector_store %arg6[%swap3A_97], %swap3A_100 {strides = array<i32>} : memref<640xf32, #tpu.memory_space<vmem>>, vector<16xf32>,
    %broadcast_in_dim3A_101 = arith.constant 0.000000e+00 : f32
    %broadcast_in_dim3A_102 = vector.broadcast %broadcast_in_dim3A_101 : f32 to vector<16xf32>
    %swap3A_103 = arith.constant 144 : index
    %swap3A_104 = tpu.vector_load %arg6[%swap3A_103] {strides = array<i32>} : memref<640xf32, #tpu.memory_space<vmem>>, vector<16xf32>,
    %swap3A_105 = vector.shape_cast %swap3A_104 : vector<16xf32> to vector<16xf32>
    %swap3A_106 = vector.shape_cast %broadcast_in_dim3A_102 : vector<16xf32> to vector<16xf32>
    tpu.vector_store %arg6[%swap3A_103], %swap3A_106 {strides = array<i32>} : memref<640xf32, #tpu.memory_space<vmem>>, vector<16xf32>,
    %broadcast_in_dim3A_107 = arith.constant 0.000000e+00 : f32
    %broadcast_in_dim3A_108 = vector.broadcast %broadcast_in_dim3A_107 : f32 to vector<16xf32>
    %swap3A_109 = arith.constant 160 : index
    %swap3A_110 = tpu.vector_load %arg6[%swap3A_109] {strides = array<i32>} : memref<640xf32, #tpu.memory_space<vmem>>, vector<16xf32>,
    %swap3A_111 = vector.shape_cast %swap3A_110 : vector<16xf32> to vector<16xf32>
    %swap3A_112 = vector.shape_cast %broadcast_in_dim3A_108 : vector<16xf32> to vector<16xf32>
    tpu.vector_store %arg6[%swap3A_109], %swap3A_112 {strides = array<i32>} : memref<640xf32, #tpu.memory_space<vmem>>, vector<16xf32>,
    %broadcast_in_dim3A_113 = arith.constant 0.000000e+00 : f32
    %broadcast_in_dim3A_114 = vector.broadcast %broadcast_in_dim3A_113 : f32 to vector<16xf32>
    %swap3A_115 = arith.constant 176 : index
    %swap3A_116 = tpu.vector_load %arg6[%swap3A_115] {strides = array<i32>} : memref<640xf32, #tpu.memory_space<vmem>>, vector<16xf32>,
    %swap3A_117 = vector.shape_cast %swap3A_116 : vector<16xf32> to vector<16xf32>
    %swap3A_118 = vector.shape_cast %broadcast_in_dim3A_114 : vector<16xf32> to vector<16xf32>
    tpu.vector_store %arg6[%swap3A_115], %swap3A_118 {strides = array<i32>} : memref<640xf32, #tpu.memory_space<vmem>>, vector<16xf32>,
    %broadcast_in_dim3A_119 = arith.constant 0.000000e+00 : f32
    %broadcast_in_dim3A_120 = vector.broadcast %broadcast_in_dim3A_119 : f32 to vector<16xf32>
    %swap3A_121 = arith.constant 192 : index
    %swap3A_122 = tpu.vector_load %arg6[%swap3A_121] {strides = array<i32>} : memref<640xf32, #tpu.memory_space<vmem>>, vector<16xf32>,
    %swap3A_123 = vector.shape_cast %swap3A_122 : vector<16xf32> to vector<16xf32>
    %swap3A_124 = vector.shape_cast %broadcast_in_dim3A_120 : vector<16xf32> to vector<16xf32>
    tpu.vector_store %arg6[%swap3A_121], %swap3A_124 {strides = array<i32>} : memref<640xf32, #tpu.memory_space<vmem>>, vector<16xf32>,
    %broadcast_in_dim3A_125 = arith.constant 0.000000e+00 : f32
    %broadcast_in_dim3A_126 = vector.broadcast %broadcast_in_dim3A_125 : f32 to vector<16xf32>
    %swap3A_127 = arith.constant 208 : index
    %swap3A_128 = tpu.vector_load %arg6[%swap3A_127] {strides = array<i32>} : memref<640xf32, #tpu.memory_space<vmem>>, vector<16xf32>,
    %swap3A_129 = vector.shape_cast %swap3A_128 : vector<16xf32> to vector<16xf32>
    %swap3A_130 = vector.shape_cast %broadcast_in_dim3A_126 : vector<16xf32> to vector<16xf32>
    tpu.vector_store %arg6[%swap3A_127], %swap3A_130 {strides = array<i32>} : memref<640xf32, #tpu.memory_space<vmem>>, vector<16xf32>,
    %broadcast_in_dim3A_131 = arith.constant 0.000000e+00 : f32
    %broadcast_in_dim3A_132 = vector.broadcast %broadcast_in_dim3A_131 : f32 to vector<16xf32>
    %swap3A_133 = arith.constant 224 : index
    %swap3A_134 = tpu.vector_load %arg6[%swap3A_133] {strides = array<i32>} : memref<640xf32, #tpu.memory_space<vmem>>, vector<16xf32>,
    %swap3A_135 = vector.shape_cast %swap3A_134 : vector<16xf32> to vector<16xf32>
    %swap3A_136 = vector.shape_cast %broadcast_in_dim3A_132 : vector<16xf32> to vector<16xf32>
    tpu.vector_store %arg6[%swap3A_133], %swap3A_136 {strides = array<i32>} : memref<640xf32, #tpu.memory_space<vmem>>, vector<16xf32>,
    %broadcast_in_dim3A_137 = arith.constant 0.000000e+00 : f32
    %broadcast_in_dim3A_138 = vector.broadcast %broadcast_in_dim3A_137 : f32 to vector<16xf32>
    %swap3A_139 = arith.constant 240 : index
    %swap3A_140 = tpu.vector_load %arg6[%swap3A_139] {strides = array<i32>} : memref<640xf32, #tpu.memory_space<vmem>>, vector<16xf32>,
    %swap3A_141 = vector.shape_cast %swap3A_140 : vector<16xf32> to vector<16xf32>
    %swap3A_142 = vector.shape_cast %broadcast_in_dim3A_138 : vector<16xf32> to vector<16xf32>
    tpu.vector_store %arg6[%swap3A_139], %swap3A_142 {strides = array<i32>} : memref<640xf32, #tpu.memory_space<vmem>>, vector<16xf32>,
    %broadcast_in_dim3A_143 = arith.constant 0.000000e+00 : f32
    %broadcast_in_dim3A_144 = vector.broadcast %broadcast_in_dim3A_143 : f32 to vector<16xf32>
    %swap3A_145 = arith.constant 256 : index
    %swap3A_146 = tpu.vector_load %arg6[%swap3A_145] {strides = array<i32>} : memref<640xf32, #tpu.memory_space<vmem>>, vector<16xf32>,
    %swap3A_147 = vector.shape_cast %swap3A_146 : vector<16xf32> to vector<16xf32>
    %swap3A_148 = vector.shape_cast %broadcast_in_dim3A_144 : vector<16xf32> to vector<16xf32>
    tpu.vector_store %arg6[%swap3A_145], %swap3A_148 {strides = array<i32>} : memref<640xf32, #tpu.memory_space<vmem>>, vector<16xf32>,
    %broadcast_in_dim3A_149 = arith.constant 0.000000e+00 : f32
    %broadcast_in_dim3A_150 = vector.broadcast %broadcast_in_dim3A_149 : f32 to vector<16xf32>
    %swap3A_151 = arith.constant 272 : index
    %swap3A_152 = tpu.vector_load %arg6[%swap3A_151] {strides = array<i32>} : memref<640xf32, #tpu.memory_space<vmem>>, vector<16xf32>,
    %swap3A_153 = vector.shape_cast %swap3A_152 : vector<16xf32> to vector<16xf32>
    %swap3A_154 = vector.shape_cast %broadcast_in_dim3A_150 : vector<16xf32> to vector<16xf32>
    tpu.vector_store %arg6[%swap3A_151], %swap3A_154 {strides = array<i32>} : memref<640xf32, #tpu.memory_space<vmem>>, vector<16xf32>,
    %broadcast_in_dim3A_155 = arith.constant 0.000000e+00 : f32
    %broadcast_in_dim3A_156 = vector.broadcast %broadcast_in_dim3A_155 : f32 to vector<16xf32>
    %swap3A_157 = arith.constant 288 : index
    %swap3A_158 = tpu.vector_load %arg6[%swap3A_157] {strides = array<i32>} : memref<640xf32, #tpu.memory_space<vmem>>, vector<16xf32>,
    %swap3A_159 = vector.shape_cast %swap3A_158 : vector<16xf32> to vector<16xf32>
    %swap3A_160 = vector.shape_cast %broadcast_in_dim3A_156 : vector<16xf32> to vector<16xf32>
    tpu.vector_store %arg6[%swap3A_157], %swap3A_160 {strides = array<i32>} : memref<640xf32, #tpu.memory_space<vmem>>, vector<16xf32>,
    %broadcast_in_dim3A_161 = arith.constant 0.000000e+00 : f32
    %broadcast_in_dim3A_162 = vector.broadcast %broadcast_in_dim3A_161 : f32 to vector<16xf32>
    %swap3A_163 = arith.constant 304 : index
    %swap3A_164 = tpu.vector_load %arg6[%swap3A_163] {strides = array<i32>} : memref<640xf32, #tpu.memory_space<vmem>>, vector<16xf32>,
    %swap3A_165 = vector.shape_cast %swap3A_164 : vector<16xf32> to vector<16xf32>
    %swap3A_166 = vector.shape_cast %broadcast_in_dim3A_162 : vector<16xf32> to vector<16xf32>
    tpu.vector_store %arg6[%swap3A_163], %swap3A_166 {strides = array<i32>} : memref<640xf32, #tpu.memory_space<vmem>>, vector<16xf32>,
    %broadcast_in_dim3A_167 = arith.constant 0.000000e+00 : f32
    %broadcast_in_dim3A_168 = vector.broadcast %broadcast_in_dim3A_167 : f32 to vector<16xf32>
    %swap3A_169 = arith.constant 320 : index
    %swap3A_170 = tpu.vector_load %arg6[%swap3A_169] {strides = array<i32>} : memref<640xf32, #tpu.memory_space<vmem>>, vector<16xf32>,
    %swap3A_171 = vector.shape_cast %swap3A_170 : vector<16xf32> to vector<16xf32>
    %swap3A_172 = vector.shape_cast %broadcast_in_dim3A_168 : vector<16xf32> to vector<16xf32>
    tpu.vector_store %arg6[%swap3A_169], %swap3A_172 {strides = array<i32>} : memref<640xf32, #tpu.memory_space<vmem>>, vector<16xf32>,
    %broadcast_in_dim3A_173 = arith.constant 0.000000e+00 : f32
    %broadcast_in_dim3A_174 = vector.broadcast %broadcast_in_dim3A_173 : f32 to vector<16xf32>
    %swap3A_175 = arith.constant 336 : index
    %swap3A_176 = tpu.vector_load %arg6[%swap3A_175] {strides = array<i32>} : memref<640xf32, #tpu.memory_space<vmem>>, vector<16xf32>,
    %swap3A_177 = vector.shape_cast %swap3A_176 : vector<16xf32> to vector<16xf32>
    %swap3A_178 = vector.shape_cast %broadcast_in_dim3A_174 : vector<16xf32> to vector<16xf32>
    tpu.vector_store %arg6[%swap3A_175], %swap3A_178 {strides = array<i32>} : memref<640xf32, #tpu.memory_space<vmem>>, vector<16xf32>,
    %broadcast_in_dim3A_179 = arith.constant 0.000000e+00 : f32
    %broadcast_in_dim3A_180 = vector.broadcast %broadcast_in_dim3A_179 : f32 to vector<16xf32>
    %swap3A_181 = arith.constant 352 : index
    %swap3A_182 = tpu.vector_load %arg6[%swap3A_181] {strides = array<i32>} : memref<640xf32, #tpu.memory_space<vmem>>, vector<16xf32>,
    %swap3A_183 = vector.shape_cast %swap3A_182 : vector<16xf32> to vector<16xf32>
    %swap3A_184 = vector.shape_cast %broadcast_in_dim3A_180 : vector<16xf32> to vector<16xf32>
    tpu.vector_store %arg6[%swap3A_181], %swap3A_184 {strides = array<i32>} : memref<640xf32, #tpu.memory_space<vmem>>, vector<16xf32>,
    %broadcast_in_dim3A_185 = arith.constant 0.000000e+00 : f32
    %broadcast_in_dim3A_186 = vector.broadcast %broadcast_in_dim3A_185 : f32 to vector<16xf32>
    %swap3A_187 = arith.constant 368 : index
    %swap3A_188 = tpu.vector_load %arg6[%swap3A_187] {strides = array<i32>} : memref<640xf32, #tpu.memory_space<vmem>>, vector<16xf32>,
    %swap3A_189 = vector.shape_cast %swap3A_188 : vector<16xf32> to vector<16xf32>
    %swap3A_190 = vector.shape_cast %broadcast_in_dim3A_186 : vector<16xf32> to vector<16xf32>
    tpu.vector_store %arg6[%swap3A_187], %swap3A_190 {strides = array<i32>} : memref<640xf32, #tpu.memory_space<vmem>>, vector<16xf32>,
    %broadcast_in_dim3A_191 = arith.constant 0.000000e+00 : f32
    %broadcast_in_dim3A_192 = vector.broadcast %broadcast_in_dim3A_191 : f32 to vector<16xf32>
    %swap3A_193 = arith.constant 384 : index
    %swap3A_194 = tpu.vector_load %arg6[%swap3A_193] {strides = array<i32>} : memref<640xf32, #tpu.memory_space<vmem>>, vector<16xf32>,
    %swap3A_195 = vector.shape_cast %swap3A_194 : vector<16xf32> to vector<16xf32>
    %swap3A_196 = vector.shape_cast %broadcast_in_dim3A_192 : vector<16xf32> to vector<16xf32>
    tpu.vector_store %arg6[%swap3A_193], %swap3A_196 {strides = array<i32>} : memref<640xf32, #tpu.memory_space<vmem>>, vector<16xf32>,
    %broadcast_in_dim3A_197 = arith.constant 0.000000e+00 : f32
    %broadcast_in_dim3A_198 = vector.broadcast %broadcast_in_dim3A_197 : f32 to vector<16xf32>
    %swap3A_199 = arith.constant 400 : index
    %swap3A_200 = tpu.vector_load %arg6[%swap3A_199] {strides = array<i32>} : memref<640xf32, #tpu.memory_space<vmem>>, vector<16xf32>,
    %swap3A_201 = vector.shape_cast %swap3A_200 : vector<16xf32> to vector<16xf32>
    %swap3A_202 = vector.shape_cast %broadcast_in_dim3A_198 : vector<16xf32> to vector<16xf32>
    tpu.vector_store %arg6[%swap3A_199], %swap3A_202 {strides = array<i32>} : memref<640xf32, #tpu.memory_space<vmem>>, vector<16xf32>,
    %broadcast_in_dim3A_203 = arith.constant 0.000000e+00 : f32
    %broadcast_in_dim3A_204 = vector.broadcast %broadcast_in_dim3A_203 : f32 to vector<16xf32>
    %swap3A_205 = arith.constant 416 : index
    %swap3A_206 = tpu.vector_load %arg6[%swap3A_205] {strides = array<i32>} : memref<640xf32, #tpu.memory_space<vmem>>, vector<16xf32>,
    %swap3A_207 = vector.shape_cast %swap3A_206 : vector<16xf32> to vector<16xf32>
    %swap3A_208 = vector.shape_cast %broadcast_in_dim3A_204 : vector<16xf32> to vector<16xf32>
    tpu.vector_store %arg6[%swap3A_205], %swap3A_208 {strides = array<i32>} : memref<640xf32, #tpu.memory_space<vmem>>, vector<16xf32>,
    %broadcast_in_dim3A_209 = arith.constant 0.000000e+00 : f32
    %broadcast_in_dim3A_210 = vector.broadcast %broadcast_in_dim3A_209 : f32 to vector<16xf32>
    %swap3A_211 = arith.constant 432 : index
    %swap3A_212 = tpu.vector_load %arg6[%swap3A_211] {strides = array<i32>} : memref<640xf32, #tpu.memory_space<vmem>>, vector<16xf32>,
    %swap3A_213 = vector.shape_cast %swap3A_212 : vector<16xf32> to vector<16xf32>
    %swap3A_214 = vector.shape_cast %broadcast_in_dim3A_210 : vector<16xf32> to vector<16xf32>
    tpu.vector_store %arg6[%swap3A_211], %swap3A_214 {strides = array<i32>} : memref<640xf32, #tpu.memory_space<vmem>>, vector<16xf32>,
    %broadcast_in_dim3A_215 = arith.constant 0.000000e+00 : f32
    %broadcast_in_dim3A_216 = vector.broadcast %broadcast_in_dim3A_215 : f32 to vector<16xf32>
    %swap3A_217 = arith.constant 448 : index
    %swap3A_218 = tpu.vector_load %arg6[%swap3A_217] {strides = array<i32>} : memref<640xf32, #tpu.memory_space<vmem>>, vector<16xf32>,
    %swap3A_219 = vector.shape_cast %swap3A_218 : vector<16xf32> to vector<16xf32>
    %swap3A_220 = vector.shape_cast %broadcast_in_dim3A_216 : vector<16xf32> to vector<16xf32>
    tpu.vector_store %arg6[%swap3A_217], %swap3A_220 {strides = array<i32>} : memref<640xf32, #tpu.memory_space<vmem>>, vector<16xf32>,
    %broadcast_in_dim3A_221 = arith.constant 0.000000e+00 : f32
    %broadcast_in_dim3A_222 = vector.broadcast %broadcast_in_dim3A_221 : f32 to vector<16xf32>
    %swap3A_223 = arith.constant 464 : index
    %swap3A_224 = tpu.vector_load %arg6[%swap3A_223] {strides = array<i32>} : memref<640xf32, #tpu.memory_space<vmem>>, vector<16xf32>,
    %swap3A_225 = vector.shape_cast %swap3A_224 : vector<16xf32> to vector<16xf32>
    %swap3A_226 = vector.shape_cast %broadcast_in_dim3A_222 : vector<16xf32> to vector<16xf32>
    tpu.vector_store %arg6[%swap3A_223], %swap3A_226 {strides = array<i32>} : memref<640xf32, #tpu.memory_space<vmem>>, vector<16xf32>,
    %broadcast_in_dim3A_227 = arith.constant 0.000000e+00 : f32
    %broadcast_in_dim3A_228 = vector.broadcast %broadcast_in_dim3A_227 : f32 to vector<16xf32>
    %swap3A_229 = arith.constant 480 : index
    %swap3A_230 = tpu.vector_load %arg6[%swap3A_229] {strides = array<i32>} : memref<640xf32, #tpu.memory_space<vmem>>, vector<16xf32>,
    %swap3A_231 = vector.shape_cast %swap3A_230 : vector<16xf32> to vector<16xf32>
    %swap3A_232 = vector.shape_cast %broadcast_in_dim3A_228 : vector<16xf32> to vector<16xf32>
    tpu.vector_store %arg6[%swap3A_229], %swap3A_232 {strides = array<i32>} : memref<640xf32, #tpu.memory_space<vmem>>, vector<16xf32>,
    %broadcast_in_dim3A_233 = arith.constant 0.000000e+00 : f32
    %broadcast_in_dim3A_234 = vector.broadcast %broadcast_in_dim3A_233 : f32 to vector<16xf32>
    %swap3A_235 = arith.constant 496 : index
    %swap3A_236 = tpu.vector_load %arg6[%swap3A_235] {strides = array<i32>} : memref<640xf32, #tpu.memory_space<vmem>>, vector<16xf32>,
    %swap3A_237 = vector.shape_cast %swap3A_236 : vector<16xf32> to vector<16xf32>
    %swap3A_238 = vector.shape_cast %broadcast_in_dim3A_234 : vector<16xf32> to vector<16xf32>
    tpu.vector_store %arg6[%swap3A_235], %swap3A_238 {strides = array<i32>} : memref<640xf32, #tpu.memory_space<vmem>>, vector<16xf32>,
    %broadcast_in_dim3A_239 = arith.constant 0.000000e+00 : f32
    %broadcast_in_dim3A_240 = vector.broadcast %broadcast_in_dim3A_239 : f32 to vector<16xf32>
    %swap3A_241 = arith.constant 512 : index
    %swap3A_242 = tpu.vector_load %arg6[%swap3A_241] {strides = array<i32>} : memref<640xf32, #tpu.memory_space<vmem>>, vector<16xf32>,
    %swap3A_243 = vector.shape_cast %swap3A_242 : vector<16xf32> to vector<16xf32>
    %swap3A_244 = vector.shape_cast %broadcast_in_dim3A_240 : vector<16xf32> to vector<16xf32>
    tpu.vector_store %arg6[%swap3A_241], %swap3A_244 {strides = array<i32>} : memref<640xf32, #tpu.memory_space<vmem>>, vector<16xf32>,
    %broadcast_in_dim3A_245 = arith.constant 0.000000e+00 : f32
    %broadcast_in_dim3A_246 = vector.broadcast %broadcast_in_dim3A_245 : f32 to vector<16xf32>
    %swap3A_247 = arith.constant 528 : index
    %swap3A_248 = tpu.vector_load %arg6[%swap3A_247] {strides = array<i32>} : memref<640xf32, #tpu.memory_space<vmem>>, vector<16xf32>,
    %swap3A_249 = vector.shape_cast %swap3A_248 : vector<16xf32> to vector<16xf32>
    %swap3A_250 = vector.shape_cast %broadcast_in_dim3A_246 : vector<16xf32> to vector<16xf32>
    tpu.vector_store %arg6[%swap3A_247], %swap3A_250 {strides = array<i32>} : memref<640xf32, #tpu.memory_space<vmem>>, vector<16xf32>,
    %broadcast_in_dim3A_251 = arith.constant 0.000000e+00 : f32
    %broadcast_in_dim3A_252 = vector.broadcast %broadcast_in_dim3A_251 : f32 to vector<16xf32>
    %swap3A_253 = arith.constant 544 : index
    %swap3A_254 = tpu.vector_load %arg6[%swap3A_253] {strides = array<i32>} : memref<640xf32, #tpu.memory_space<vmem>>, vector<16xf32>,
    %swap3A_255 = vector.shape_cast %swap3A_254 : vector<16xf32> to vector<16xf32>
    %swap3A_256 = vector.shape_cast %broadcast_in_dim3A_252 : vector<16xf32> to vector<16xf32>
    tpu.vector_store %arg6[%swap3A_253], %swap3A_256 {strides = array<i32>} : memref<640xf32, #tpu.memory_space<vmem>>, vector<16xf32>,
    %broadcast_in_dim3A_257 = arith.constant 0.000000e+00 : f32
    %broadcast_in_dim3A_258 = vector.broadcast %broadcast_in_dim3A_257 : f32 to vector<16xf32>
    %swap3A_259 = arith.constant 560 : index
    %swap3A_260 = tpu.vector_load %arg6[%swap3A_259] {strides = array<i32>} : memref<640xf32, #tpu.memory_space<vmem>>, vector<16xf32>,
    %swap3A_261 = vector.shape_cast %swap3A_260 : vector<16xf32> to vector<16xf32>
    %swap3A_262 = vector.shape_cast %broadcast_in_dim3A_258 : vector<16xf32> to vector<16xf32>
    tpu.vector_store %arg6[%swap3A_259], %swap3A_262 {strides = array<i32>} : memref<640xf32, #tpu.memory_space<vmem>>, vector<16xf32>,
    %broadcast_in_dim3A_263 = arith.constant 0.000000e+00 : f32
    %broadcast_in_dim3A_264 = vector.broadcast %broadcast_in_dim3A_263 : f32 to vector<16xf32>
    %swap3A_265 = arith.constant 576 : index
    %swap3A_266 = tpu.vector_load %arg6[%swap3A_265] {strides = array<i32>} : memref<640xf32, #tpu.memory_space<vmem>>, vector<16xf32>,
    %swap3A_267 = vector.shape_cast %swap3A_266 : vector<16xf32> to vector<16xf32>
    %swap3A_268 = vector.shape_cast %broadcast_in_dim3A_264 : vector<16xf32> to vector<16xf32>
    tpu.vector_store %arg6[%swap3A_265], %swap3A_268 {strides = array<i32>} : memref<640xf32, #tpu.memory_space<vmem>>, vector<16xf32>,
    %broadcast_in_dim3A_269 = arith.constant 0.000000e+00 : f32
    %broadcast_in_dim3A_270 = vector.broadcast %broadcast_in_dim3A_269 : f32 to vector<16xf32>
    %swap3A_271 = arith.constant 592 : index
    %swap3A_272 = tpu.vector_load %arg6[%swap3A_271] {strides = array<i32>} : memref<640xf32, #tpu.memory_space<vmem>>, vector<16xf32>,
    %swap3A_273 = vector.shape_cast %swap3A_272 : vector<16xf32> to vector<16xf32>
    %swap3A_274 = vector.shape_cast %broadcast_in_dim3A_270 : vector<16xf32> to vector<16xf32>
    tpu.vector_store %arg6[%swap3A_271], %swap3A_274 {strides = array<i32>} : memref<640xf32, #tpu.memory_space<vmem>>, vector<16xf32>,
    %broadcast_in_dim3A_275 = arith.constant 0.000000e+00 : f32
    %broadcast_in_dim3A_276 = vector.broadcast %broadcast_in_dim3A_275 : f32 to vector<16xf32>
    %swap3A_277 = arith.constant 608 : index
    %swap3A_278 = tpu.vector_load %arg6[%swap3A_277] {strides = array<i32>} : memref<640xf32, #tpu.memory_space<vmem>>, vector<16xf32>,
    %swap3A_279 = vector.shape_cast %swap3A_278 : vector<16xf32> to vector<16xf32>
    %swap3A_280 = vector.shape_cast %broadcast_in_dim3A_276 : vector<16xf32> to vector<16xf32>
    tpu.vector_store %arg6[%swap3A_277], %swap3A_280 {strides = array<i32>} : memref<640xf32, #tpu.memory_space<vmem>>, vector<16xf32>,
    %broadcast_in_dim3A_281 = arith.constant 0.000000e+00 : f32
    %broadcast_in_dim3A_282 = vector.broadcast %broadcast_in_dim3A_281 : f32 to vector<16xf32>
    %swap3A_283 = arith.constant 624 : index
    %swap3A_284 = tpu.vector_load %arg6[%swap3A_283] {strides = array<i32>} : memref<640xf32, #tpu.memory_space<vmem>>, vector<16xf32>,
    %swap3A_285 = vector.shape_cast %swap3A_284 : vector<16xf32> to vector<16xf32>
    %swap3A_286 = vector.shape_cast %broadcast_in_dim3A_282 : vector<16xf32> to vector<16xf32>
    tpu.vector_store %arg6[%swap3A_283], %swap3A_286 {strides = array<i32>} : memref<640xf32, #tpu.memory_space<vmem>>, vector<16xf32>,
    %mul3A_287 = arith.constant 640 : i32
    %mul3A_288 = arith.muli %arg1, %mul3A_287 : i32
    "tpu.region"() ({
      %run_scoped3A = tpu.sem_alloc : memref<!tpu.dma_semaphore, #tpu.memory_space<semaphore_mem>>
      %dma_start3A = tpu.memref_slice %arg7[%mul3A_288] : memref<10240xf32, #tpu.memory_space<vmem_shared>> -> memref<640xf32, #tpu.memory_space<vmem_shared>>
      %dma_start3A_304 = tpu.memref_slice %arg7[%mul3A_288] : memref<10240xf32, #tpu.memory_space<vmem_shared>> -> memref<640xf32, #tpu.memory_space<vmem_shared>>
      tpu.enqueue_dma source(%arg6 : memref<640xf32, #tpu.memory_space<vmem>>) target(%dma_start3A_304 : memref<640xf32, #tpu.memory_space<vmem_shared>>) target_semaphore(%run_scoped3A : memref<!tpu.dma_semaphore, #tpu.memory_space<semaphore_mem>>)
      %dma_wait3A = tpu.memref_slice %arg7[%mul3A_288] : memref<10240xf32, #tpu.memory_space<vmem_shared>> -> memref<640xf32, #tpu.memory_space<vmem_shared>>
      %dma_wait3A_305 = tpu.memref_slice %arg7[%mul3A_288] : memref<10240xf32, #tpu.memory_space<vmem_shared>> -> memref<640xf32, #tpu.memory_space<vmem_shared>>
      tpu.wait_dma2 semaphore(%run_scoped3A : memref<!tpu.dma_semaphore, #tpu.memory_space<semaphore_mem>>) src(%arg6 : memref<640xf32, #tpu.memory_space<vmem>>) dst(%dma_wait3A_305 : memref<640xf32, #tpu.memory_space<vmem_shared>>)
      tpu.yield
    }) : () -> ()
    %barrier3A = arith.constant 0 : index
    tpu.barrier barrier_id(%barrier3A)
    %mul3A_289 = arith.constant 80 : i32
    %mul3A_290 = arith.muli %add3A, %mul3A_289 : i32
    "tpu.region"() ({
      %run_scoped3A = tpu.sem_alloc : memref<!tpu.dma_semaphore, #tpu.memory_space<semaphore_mem>>
      %dma_start3A = arith.constant 0 : i32
      %dma_start3A_304 = tpu.memref_slice %arg2[%mul3A_290, %dma_start3A] : memref<2560x128xi32, #tpu.memory_space<hbm>> -> memref<80x128xi32, #tpu.memory_space<hbm>>
      %dma_start3A_305 = arith.constant 0 : i32
      %dma_start3A_306 = tpu.memref_slice %arg2[%mul3A_290, %dma_start3A_305] : memref<2560x128xi32, #tpu.memory_space<hbm>> -> memref<80x128xi32, #tpu.memory_space<hbm>>
      tpu.enqueue_dma source(%dma_start3A_306 : memref<80x128xi32, #tpu.memory_space<hbm>>) target(%arg4 : memref<80x128xi32, #tpu.memory_space<vmem>>) target_semaphore(%run_scoped3A : memref<!tpu.dma_semaphore, #tpu.memory_space<semaphore_mem>>)
      %dma_wait3A = arith.constant 0 : i32
      %dma_wait3A_307 = tpu.memref_slice %arg2[%mul3A_290, %dma_wait3A] : memref<2560x128xi32, #tpu.memory_space<hbm>> -> memref<80x128xi32, #tpu.memory_space<hbm>>
      %dma_wait3A_308 = arith.constant 0 : i32
      %dma_wait3A_309 = tpu.memref_slice %arg2[%mul3A_290, %dma_wait3A_308] : memref<2560x128xi32, #tpu.memory_space<hbm>> -> memref<80x128xi32, #tpu.memory_space<hbm>>
      tpu.wait_dma2 semaphore(%run_scoped3A : memref<!tpu.dma_semaphore, #tpu.memory_space<semaphore_mem>>) src(%dma_wait3A_309 : memref<80x128xi32, #tpu.memory_space<hbm>>) dst(%arg4 : memref<80x128xi32, #tpu.memory_space<vmem>>)
      tpu.yield
    }) : () -> ()
    %scan3A = arith.constant 0 : i32
    %scan3A_291 = arith.constant 0 : i32
    %scan3A_292 = arith.constant 80 : i32
    %scan3A_293 = arith.addi %scan3A_291, %scan3A_292 : i32
    %scan3A_294 = arith.constant 1 : i32
    scf.for %scan3A_304 = %scan3A_291 to %scan3A_293 step %scan3A_294  : i32 {
      "tpu.region"() ({
        %run_scoped3A = tpu.sem_alloc : memref<!tpu.dma_semaphore, #tpu.memory_space<semaphore_mem>>
        %dma_start3A = arith.constant 0 : i32
        %dma_start3A_305 = tpu.memref_slice %arg4[%scan3A_304, %dma_start3A] : memref<80x128xi32, #tpu.memory_space<vmem>> -> memref<1x128xi32, #tpu.memory_space<vmem>>
        %dma_start3A_306 = tpu.memref_squeeze %dma_start3A_305 : memref<1x128xi32, #tpu.memory_space<vmem>> -> memref<128xi32, #tpu.memory_space<vmem>>
        %dma_start3A_307 = arith.constant 0 : i32
        %dma_start3A_308 = tpu.memref_slice %arg7[%dma_start3A_307] : memref<10240xf32, #tpu.memory_space<vmem_shared>> -> memref<10240xf32, #tpu.memory_space<vmem_shared>>
        tpu.enqueue_indirect_dma source(%arg5 : memref<128xf32, #tpu.memory_space<vmem>>) target(%dma_start3A_308 : memref<10240xf32, #tpu.memory_space<vmem_shared>>) offsets(%dma_start3A_306 : memref<128xi32, #tpu.memory_space<vmem>>) semaphore(%run_scoped3A : memref<!tpu.dma_semaphore, #tpu.memory_space<semaphore_mem>>) {add = true}
        %dma_wait3A = arith.constant 0 : i32
        %dma_wait3A_309 = tpu.memref_slice %arg4[%scan3A_304, %dma_wait3A] : memref<80x128xi32, #tpu.memory_space<vmem>> -> memref<1x128xi32, #tpu.memory_space<vmem>>
        %dma_wait3A_310 = tpu.memref_squeeze %dma_wait3A_309 : memref<1x128xi32, #tpu.memory_space<vmem>> -> memref<128xi32, #tpu.memory_space<vmem>>
        %dma_wait3A_311 = arith.constant 0 : i32
        %dma_wait3A_312 = tpu.memref_slice %arg7[%dma_wait3A_311] : memref<10240xf32, #tpu.memory_space<vmem_shared>> -> memref<10240xf32, #tpu.memory_space<vmem_shared>>
        tpu.wait_indirect_dma semaphore(%run_scoped3A : memref<!tpu.dma_semaphore, #tpu.memory_space<semaphore_mem>>) src(%arg5 : memref<128xf32, #tpu.memory_space<vmem>>) dst(%dma_wait3A_312 : memref<10240xf32, #tpu.memory_space<vmem_shared>>)
        tpu.yield
      }) : () -> ()
    }
    %scan3A_295 = arith.constant 80 : i32
    %barrier3A_296 = arith.constant 0 : index
    tpu.barrier barrier_id(%barrier3A_296)
    %mul3A_297 = arith.constant 640 : i32
    %mul3A_298 = arith.muli %arg1, %mul3A_297 : i32
    %mul3A_299 = arith.constant 10240 : i32
    %mul3A_300 = arith.muli %arg0, %mul3A_299 : i32
    %mul3A_301 = arith.constant 640 : i32
    %mul3A_302 = arith.muli %arg1, %mul3A_301 : i32
    %add3A_303 = arith.addi %mul3A_300, %mul3A_302 : i32
    "tpu.region"() ({
      %run_scoped3A = tpu.sem_alloc : memref<!tpu.dma_semaphore, #tpu.memory_space<semaphore_mem>>
      %dma_start3A = tpu.memref_slice %arg3[%add3A_303] : memref<20480xf32, #tpu.memory_space<hbm>> -> memref<640xf32, #tpu.memory_space<hbm>>
      %dma_start3A_304 = tpu.memref_slice %arg7[%mul3A_298] : memref<10240xf32, #tpu.memory_space<vmem_shared>> -> memref<640xf32, #tpu.memory_space<vmem_shared>>
      tpu.enqueue_dma source(%dma_start3A_304 : memref<640xf32, #tpu.memory_space<vmem_shared>>) target(%dma_start3A : memref<640xf32, #tpu.memory_space<hbm>>) target_semaphore(%run_scoped3A : memref<!tpu.dma_semaphore, #tpu.memory_space<semaphore_mem>>)
      %dma_wait3A = tpu.memref_slice %arg3[%add3A_303] : memref<20480xf32, #tpu.memory_space<hbm>> -> memref<640xf32, #tpu.memory_space<hbm>>
      %dma_wait3A_305 = tpu.memref_slice %arg7[%mul3A_298] : memref<10240xf32, #tpu.memory_space<vmem_shared>> -> memref<640xf32, #tpu.memory_space<vmem_shared>>
      tpu.wait_dma2 semaphore(%run_scoped3A : memref<!tpu.dma_semaphore, #tpu.memory_space<semaphore_mem>>) src(%dma_wait3A_305 : memref<640xf32, #tpu.memory_space<vmem_shared>>) dst(%dma_wait3A : memref<640xf32, #tpu.memory_space<hbm>>)
      tpu.yield
    }) : () -> ()
    return
  }
}

module attributes {stable_mosaic.version = 14 : i64} {
  func.func @_tc_g_body(%arg0: i32, %arg1: memref<2528x128xf32, #tpu.memory_space<vmem>>, %arg2: memref<2528x1xf32, #tpu.memory_space<vmem>>, %arg3: memref<2528x1xf32, #tpu.memory_space<vmem>>, %arg4: memref<2528x128xf32, #tpu.memory_space<vmem>>, %arg5: memref<2528x1xf32, #tpu.memory_space<vmem>>) attributes {dimension_semantics = [#tpu.dimension_semantics<arbitrary>], iteration_bounds = array<i64: 4>, scalar_prefetch = 0 : i64, scratch_operands = 0 : i64, tpu.core_type = #tpu.core_type<tc>, window_params = [{transform_indices = @transform_0, window_bounds = array<i64: 2528, 128>}, {transform_indices = @transform_1, window_bounds = array<i64: 2528, 1>}, {transform_indices = @transform_2, window_bounds = array<i64: 2528, 1>}, {transform_indices = @transform_3, window_bounds = array<i64: 2528, 128>}, {transform_indices = @transform_4, window_bounds = array<i64: 2528, 1>}]} {
    %get3A = arith.constant 0 : index
    %get3A_0 = arith.constant 0 : index
    %get3A_1 = vector.load %arg2[%get3A, %get3A_0] : memref<2528x1xf32, #tpu.memory_space<vmem>>, vector<2528x1xf32>
    %get3A_2 = arith.constant 0 : index
    %get3A_3 = arith.constant 0 : index
    %get3A_4 = vector.load %arg3[%get3A_2, %get3A_3] : memref<2528x1xf32, #tpu.memory_space<vmem>>, vector<2528x1xf32>
    %add3A = arith.addf %get3A_1, %get3A_4 : vector<2528x1xf32>
    %add3A_5 = arith.constant 1.000000e+00 : f32
    %add3A_6 = vector.broadcast %add3A_5 : f32 to vector<2528x1xf32>
    %add3A_7 = arith.addf %add3A, %add3A_6 : vector<2528x1xf32>
    %rsqrt3A = math.rsqrt %add3A_7 : vector<2528x1xf32>
    %get3A_8 = arith.constant 0 : index
    %get3A_9 = arith.constant 0 : index
    %get3A_10 = vector.load %arg1[%get3A_8, %get3A_9] : memref<2528x128xf32, #tpu.memory_space<vmem>>, vector<2528x128xf32>
    %mul3A = vector.broadcast %rsqrt3A : vector<2528x1xf32> to vector<2528x128xf32>
    %mul3A_11 = arith.mulf %get3A_10, %mul3A : vector<2528x128xf32>
    %swap3A = arith.constant 0 : index
    %swap3A_12 = arith.constant 0 : index
    %swap3A_13 = vector.load %arg4[%swap3A, %swap3A_12] : memref<2528x128xf32, #tpu.memory_space<vmem>>, vector<2528x128xf32>
    tpu.vector_store %arg4[%swap3A, %swap3A_12], %mul3A_11 {strides = array<i32>} : memref<2528x128xf32, #tpu.memory_space<vmem>>, vector<2528x128xf32>,
    %swap3A_14 = arith.constant 0 : index
    %swap3A_15 = arith.constant 0 : index
    %swap3A_16 = vector.load %arg5[%swap3A_14, %swap3A_15] : memref<2528x1xf32, #tpu.memory_space<vmem>>, vector<2528x1xf32>
    tpu.vector_store %arg5[%swap3A_14, %swap3A_15], %rsqrt3A {strides = array<i32>} : memref<2528x1xf32, #tpu.memory_space<vmem>>, vector<2528x1xf32>,
    return
  }
  func.func @transform_0(%arg0: i32) -> (i32, i32) {
    %c0_i32 = arith.constant 0 : i32
    %c0_i32_0 = arith.constant 0 : i32
    return %arg0, %c0_i32 : i32, i32
  }
  func.func @transform_1(%arg0: i32) -> (i32, i32) {
    %c0_i32 = arith.constant 0 : i32
    %c0_i32_0 = arith.constant 0 : i32
    return %arg0, %c0_i32 : i32, i32
  }
  func.func @transform_2(%arg0: i32) -> (i32, i32) {
    %c0_i32 = arith.constant 0 : i32
    %c0_i32_0 = arith.constant 0 : i32
    return %arg0, %c0_i32 : i32, i32
  }
  func.func @transform_3(%arg0: i32) -> (i32, i32) {
    %c0_i32 = arith.constant 0 : i32
    %c0_i32_0 = arith.constant 0 : i32
    return %arg0, %c0_i32 : i32, i32
  }
  func.func @transform_4(%arg0: i32) -> (i32, i32) {
    %c0_i32 = arith.constant 0 : i32
    %c0_i32_0 = arith.constant 0 : i32
    return %arg0, %c0_i32 : i32, i32
  }
}

module attributes {stable_mosaic.version = 14 : i64} {
  func.func @_tc_final_body(%arg0: i32, %arg1: memref<2000x128xf32, #tpu.memory_space<vmem>>, %arg2: memref<2000x128xf32, #tpu.memory_space<vmem>>, %arg3: memref<2x2000x128xf32, #tpu.memory_space<vmem>>, %arg4: memref<2000x1xf32, #tpu.memory_space<vmem>>, %arg5: memref<1x128xf32, #tpu.memory_space<vmem>>, %arg6: memref<1x128xf32, #tpu.memory_space<vmem>>, %arg7: memref<2000x128xf32, #tpu.memory_space<vmem>>) attributes {dimension_semantics = [#tpu.dimension_semantics<arbitrary>], iteration_bounds = array<i64: 5>, scalar_prefetch = 0 : i64, scratch_operands = 0 : i64, tpu.core_type = #tpu.core_type<tc>, window_params = [{transform_indices = @transform_0, window_bounds = array<i64: 2000, 128>}, {transform_indices = @transform_1, window_bounds = array<i64: 2000, 128>}, {transform_indices = @transform_2, window_bounds = array<i64: 2, 2000, 128>}, {transform_indices = @transform_3, window_bounds = array<i64: 2000, 1>}, {pipeline_mode = #tpu.pipeline_mode<synchronous>, transform_indices = @transform_4, window_bounds = array<i64: 1, 128>}, {pipeline_mode = #tpu.pipeline_mode<synchronous>, transform_indices = @transform_5, window_bounds = array<i64: 1, 128>}, {transform_indices = @transform_6, window_bounds = array<i64: 2000, 128>}]} {
    %get3A = arith.constant 0 : index
    %get3A_0 = arith.constant 0 : index
    %get3A_1 = arith.constant 0 : index
    %get3A_2 = vector.load %arg3[%get3A, %get3A_0, %get3A_1] : memref<2x2000x128xf32, #tpu.memory_space<vmem>>, vector<1x2000x128xf32>
    %get3A_3 = vector.shape_cast %get3A_2 : vector<1x2000x128xf32> to vector<2000x128xf32>
    %get3A_4 = arith.constant 1 : index
    %get3A_5 = arith.constant 0 : index
    %get3A_6 = arith.constant 0 : index
    %get3A_7 = vector.load %arg3[%get3A_4, %get3A_5, %get3A_6] : memref<2x2000x128xf32, #tpu.memory_space<vmem>>, vector<1x2000x128xf32>
    %get3A_8 = vector.shape_cast %get3A_7 : vector<1x2000x128xf32> to vector<2000x128xf32>
    %add3A = arith.addf %get3A_3, %get3A_8 : vector<2000x128xf32>
    %get3A_9 = arith.constant 0 : index
    %get3A_10 = arith.constant 0 : index
    %get3A_11 = vector.load %arg4[%get3A_9, %get3A_10] : memref<2000x1xf32, #tpu.memory_space<vmem>>, vector<2000x1xf32>
    %get3A_12 = arith.constant 0 : index
    %get3A_13 = arith.constant 0 : index
    %get3A_14 = vector.load %arg2[%get3A_12, %get3A_13] : memref<2000x128xf32, #tpu.memory_space<vmem>>, vector<2000x128xf32>
    %add3A_15 = arith.addf %add3A, %get3A_14 : vector<2000x128xf32>
    %mul3A = vector.broadcast %get3A_11 : vector<2000x1xf32> to vector<2000x128xf32>
    %mul3A_16 = arith.mulf %mul3A, %add3A_15 : vector<2000x128xf32>
    %get3A_17 = arith.constant 0 : index
    %get3A_18 = arith.constant 0 : index
    %get3A_19 = vector.load %arg1[%get3A_17, %get3A_18] : memref<2000x128xf32, #tpu.memory_space<vmem>>, vector<2000x128xf32>
    %get3A_20 = arith.constant 0 : index
    %get3A_21 = arith.constant 0 : index
    %get3A_22 = vector.load %arg5[%get3A_20, %get3A_21] : memref<1x128xf32, #tpu.memory_space<vmem>>, vector<1x128xf32>
    %mul3A_23 = vector.broadcast %get3A_22 : vector<1x128xf32> to vector<2000x128xf32>
    %mul3A_24 = arith.mulf %get3A_19, %mul3A_23 : vector<2000x128xf32>
    %get3A_25 = arith.constant 0 : index
    %get3A_26 = arith.constant 0 : index
    %get3A_27 = vector.load %arg6[%get3A_25, %get3A_26] : memref<1x128xf32, #tpu.memory_space<vmem>>, vector<1x128xf32>
    %mul3A_28 = vector.broadcast %get3A_27 : vector<1x128xf32> to vector<2000x128xf32>
    %mul3A_29 = arith.mulf %mul3A_16, %mul3A_28 : vector<2000x128xf32>
    %add3A_30 = arith.addf %mul3A_24, %mul3A_29 : vector<2000x128xf32>
    %swap3A = arith.constant 0 : index
    %swap3A_31 = arith.constant 0 : index
    %swap3A_32 = vector.load %arg7[%swap3A, %swap3A_31] : memref<2000x128xf32, #tpu.memory_space<vmem>>, vector<2000x128xf32>
    tpu.vector_store %arg7[%swap3A, %swap3A_31], %add3A_30 {strides = array<i32>} : memref<2000x128xf32, #tpu.memory_space<vmem>>, vector<2000x128xf32>,
    return
  }
  func.func @transform_0(%arg0: i32) -> (i32, i32) {
    %c0_i32 = arith.constant 0 : i32
    %c0_i32_0 = arith.constant 0 : i32
    return %arg0, %c0_i32 : i32, i32
  }
  func.func @transform_1(%arg0: i32) -> (i32, i32) {
    %c0_i32 = arith.constant 0 : i32
    %c0_i32_0 = arith.constant 0 : i32
    return %arg0, %c0_i32 : i32, i32
  }
  func.func @transform_2(%arg0: i32) -> (i32, i32, i32) {
    %c0_i32 = arith.constant 0 : i32
    %c0_i32_0 = arith.constant 0 : i32
    %c0_i32_1 = arith.constant 0 : i32
    return %c0_i32, %arg0, %c0_i32_0 : i32, i32, i32
  }
  func.func @transform_3(%arg0: i32) -> (i32, i32) {
    %c0_i32 = arith.constant 0 : i32
    %c0_i32_0 = arith.constant 0 : i32
    return %arg0, %c0_i32 : i32, i32
  }
  func.func @transform_4(%arg0: i32) -> (i32, i32) {
    %c0_i32 = arith.constant 0 : i32
    %c0_i32_0 = arith.constant 0 : i32
    %c0_i32_1 = arith.constant 0 : i32
    return %c0_i32, %c0_i32_0 : i32, i32
  }
  func.func @transform_5(%arg0: i32) -> (i32, i32) {
    %c0_i32 = arith.constant 0 : i32
    %c0_i32_0 = arith.constant 0 : i32
    %c0_i32_1 = arith.constant 0 : i32
    return %c0_i32, %c0_i32_0 : i32, i32
  }
  func.func @transform_6(%arg0: i32) -> (i32, i32) {
    %c0_i32 = arith.constant 0 : i32
    %c0_i32_0 = arith.constant 0 : i32
    return %arg0, %c0_i32 : i32, i32
  }
}

</mosaic_0001>

<sc_bundles>
// kernel: kernel.6.cloned.1.call-start
scs
__scs_entry_jumppad:
0x0: {  	(pc) =	sbr.rel $0x88, $3  }
0x1: {  	(tag) =	ssettag $0x0;
	lr =	simm.s32 $0x1  }
0x2: {  	[smem:$0x3F9D] =	sst lr;
	_ =	strace $0xD0000000  }
0x3: {  	_ = 	snop  }
0x4: {  	_ = 	snop  }
0x5: {  	_ = 	snop  }
0x6: {  	_ = 	snop  }
0x7: {  	_ = 	snop  }
__scs_overlays_trampoline_lowered:
0x8: {  	[smem:$0x3FAC] =	sst s0  }
0x9: {  	[smem:$0x3FAD] =	sst s1  }
0xa: {  	[smem:$0x3FAE] =	sst s2  }
0xb: {  	[smem:$0x3FAF] =	sst s3  }
0xc: {  	[smem:$0x3FB0] =	sst s4  }
0xd: {  	[smem:$0x3FB1] =	sst s5  }
0xe: {  	[smem:$0x3FB2] =	sst s6  }
0xf: {  	[smem:$0x3FB3] =	sst s7  }
0x10: {  	[smem:$0x3FB4] =	sst s8  }
0x11: {  	[smem:$0x3FB5] =	sst s9;
	s0 =	simm.s32 @!p0 $0x0  }
0x12: {  	s1 =	sld [smem:$0x3F9B];
	s0 =	simm.s32 @p0 $0x1  }
0x13: {  	[smem:$0x3FB6] =	sst s0;
	s0 =	simm.s32 @!p1 $0x0  }
0x14: {  	s2 =	sld [smem:$0x3F9A];
	s0 =	simm.s32 @p1 $0x1  }
0x15: {  	[smem:$0x3FB7] =	sst s0;
	s0 =	simm.s32 @!p2 $0x0  }
0x16: {  	s3 =	sld [smem:$0x3FDB];
	s0 =	simm.s32 @p2 $0x1  }
0x17: {  	s4 =	simm.s32 $0x1BF5;
	[smem:$0x3FB9] =	sst s0  }
0x18: {  	s0 =	sld [smem:$0x3F9C];
	_ =	swait.ge [sflag:s4], $0x0  }
0x19: {  	s7 =	sld [smem:$0x3F9D]  }
0x1a: {  	s8 =	sadd.s32 $0xFFFFE003, lr  }
0x1b: {  	s9 =	sadd.s32 $0xFFFFFEF7, lr;
	s5 =	simm.s32 $0xFFFFFFFF;
	p2 =	slt.u32 s8, $0xFFFFF086  }
0x1c: {  	p1 =	slt.u32 s9, $0xF7A;
	s5 =	simm.s32 @!p2 $0x0  }
0x1d: {  	s5 =	simm.s32 @p1 $0x1;
	p0 =	seq.s32 s7, s2  }
0x1e: {  	s7 =	smul.u32 @!p0 $0xF7A, s2;
	p2 =	seq.s32 @!p0 s5, $0x0  }
0x1f: {  	s9 =	smul.u32 $0xF7A, s1;
	s8 =	simm.s32 @!p0 $0x1BF5;
	p2 =	por !p2, p0  }
0x20: {  	[sflag:s8] =	ssyncset.s32 @!p0 $0xFFFFF086;
	s6 =	sadd.s32 @!p0 s3, s7;
	s7 =	simm.s32 @!p0 $0x108  }
0x21: {  	s3 =	sadd.s32 s3, s9;
	s6 =	sadd.s32 @!p0 $0x88, s6;
	s7 =	simm.s32 @p2 $0x1082  }
0x22: {  	[simem:s7], [sflag:s8] =	dma.local @!p0 [hbm:s6], $0xF7A  }
0x23: {  	s9 =	sor.u32 $0xD0000000, s2;
	s6 =	simm.s32 $0x108;
	_ =	swait.ge @!p0 [sflag:s8], $0x0  }
0x24: {  	s3 =	sadd.s32 $0x88, s3;
	s6 =	simm.s32 @!p1 $0x1082;
	[sflag:s4] =	ssyncset.s32 $0xFFFFF086  }
0x25: {  	[simem:s6], [sflag:s4] =	dma.local [hbm:s3], $0xF7A  }
0x26: {  	[smem:$0x3F9D] =	sst s1;
	(tag) =	ssettag s2;
	_ =	strace s9  }
0x27: {  	s1 =	sld [smem:$0x3FAD]  }
0x28: {  	s2 =	sld [smem:$0x3FAE]  }
0x29: {  	s4 =	sld [smem:$0x3FB0]  }
0x2a: {  	p0 =	seq.s32 s5, $0x0;
	s5 =	sld [smem:$0x3FB1]  }
0x2b: {  	s6 =	sld [smem:$0x3FB2]  }
0x2c: {  	s7 =	sld [smem:$0x3FB3]  }
0x2d: {  	s3 =	simm.s32 $0x108;
	s8 =	sld [smem:$0x3FB4]  }
0x2e: {  	s3 =	simm.s32 @!p0 $0x1082;
	s9 =	sld [smem:$0x3FB5]  }
0x2f: {  	lr =	sadd.s32 s0, s3;
	s0 =	sld [smem:$0x3FAC]  }
0x30: {  	s3 =	sld [smem:$0x3FAF]  }
0x31: {  	[smem:$0x3FB8] =	sst s10  }
0x32: {  	s10 =	sld [smem:$0x3FB6];
	_ =	sdelay $0x3  }
0x33: {  	p0 =	seq.s32 s10, $0x1;
	s10 =	sld [smem:$0x3FB8];
	_ =	sdelay $0x3  }
0x34: {  	[smem:$0x3FB8] =	sst s10  }
0x35: {  	s10 =	sld [smem:$0x3FB7];
	_ =	sdelay $0x3  }
0x36: {  	p1 =	seq.s32 s10, $0x1;
	s10 =	sld [smem:$0x3FB8];
	_ =	sdelay $0x3  }
0x37: {  	[smem:$0x3FB8] =	sst s10  }
0x38: {  	s10 =	sld [smem:$0x3FB9]  }
0x39: {  	_ = 	snop;
	(pc) =	sbr.ind lr, $3  }
0x3a: {  	_ = 	snop  }
0x3b: {  	_ = 	snop  }
0x3c: {  	p2 =	seq.s32 s10, $0x1;
	s10 =	sld [smem:$0x3FB8]  }
0x3d: {  	_ =	shalt  }
0x3e: {  	_ =	shalt  }
0x3f: {  	_ =	shalt  }
0x40: {  	_ =	shalt  }
0x41: {  	_ =	shalt  }
0x42: {  	_ =	shalt  }
0x43: {  	_ =	shalt  }
0x44: {  	_ =	shalt  }
0x45: {  	_ =	shalt  }
0x46: {  	_ =	shalt  }
0x47: {  	_ =	shalt  }
0x48: {  	_ =	shalt  }
0x49: {  	_ =	shalt  }
0x4a: {  	_ =	shalt  }
0x4b: {  	_ =	shalt  }
0x4c: {  	_ =	shalt  }
0x4d: {  	_ =	shalt  }
0x4e: {  	_ =	shalt  }
0x4f: {  	_ =	shalt  }
0x50: {  	_ =	shalt  }
0x51: {  	_ =	shalt  }
0x52: {  	_ =	shalt  }
0x53: {  	_ =	shalt  }
0x54: {  	_ =	shalt  }
0x55: {  	_ =	shalt  }
0x56: {  	_ =	shalt  }
0x57: {  	_ =	shalt  }
0x58: {  	_ =	shalt  }
0x59: {  	_ =	shalt  }
0x5a: {  	_ =	shalt  }
0x5b: {  	_ =	shalt  }
0x5c: {  	_ =	shalt  }
0x5d: {  	_ =	shalt  }
0x5e: {  	_ =	shalt  }
0x5f: {  	_ =	shalt  }
0x60: {  	_ =	shalt  }
0x61: {  	_ =	shalt  }
0x62: {  	_ =	shalt  }
0x63: {  	_ =	shalt  }
0x64: {  	_ =	shalt  }
0x65: {  	_ =	shalt  }
0x66: {  	_ =	shalt  }
0x67: {  	_ =	shalt  }
0x68: {  	_ =	shalt  }
0x69: {  	_ =	shalt  }
0x6a: {  	_ =	shalt  }
0x6b: {  	_ =	shalt  }
0x6c: {  	_ =	shalt  }
0x6d: {  	_ =	shalt  }
0x6e: {  	_ =	shalt  }
0x6f: {  	_ =	shalt  }
0x70: {  	_ =	shalt  }
0x71: {  	_ =	shalt  }
0x72: {  	_ =	shalt  }
0x73: {  	_ =	shalt  }
0x74: {  	_ =	shalt  }
0x75: {  	_ =	shalt  }
0x76: {  	_ =	shalt  }
0x77: {  	_ =	shalt  }
0x78: {  	_ =	shalt  }
0x79: {  	_ =	shalt  }
0x7a: {  	_ =	shalt  }
0x7b: {  	_ =	shalt  }
0x7c: {  	_ =	shalt  }
0x7d: {  	_ =	shalt  }
0x7e: {  	_ =	shalt  }
0x7f: {  	_ =	shalt  }
0x80: {  	_ =	shalt  }
0x81: {  	_ =	shalt  }
0x82: {  	_ =	shalt  }
0x83: {  	_ =	shalt  }
0x84: {  	_ =	shalt  }
0x85: {  	_ =	shalt  }
0x86: {  	_ =	shalt  }
0x87: {  	_ =	shalt  }
.Lfunc_end0:
.L_simem_size_0:
called_computation_lowered:
.L_overlay_start_0:
0x88: {  	s2 =	sld [smem:$0x3FD9]  }
0x89: {  	s3 =	sld [smem:$0x3FFE];
	_ =	sdelay $0x1  }
0x8a: {  	s1 =	srdreg.scid  }
0x8b: {  	s0 =	sand.u32 $0x1, s1  }
0x8c: {  	s16 =	sshll.u32 s0, $0xA;
	s2 =	sadd.s32 s3, s2  }
0x8d: {  	s2 =	sadd.s32 s2, s16  }
0x8e: {  	[smem:$0x3FC4] =	sst s2  }
0x8f: {  	_ = 	snop  }
0x90: {  	(tm) =	ssettm $0x1  }
0x91: {  	s17 =	sld [smem:$0x3FFB];
	_ =	sdelay $0x3  }
0x92: {  	_ =	strace s17  }
0x93: {  	s2 =	sld [smem:$0x3FFC];
	_ =	sdelay $0x3  }
0x94: {  	_ =	strace s2  }
0x95: {  	s2 =	sld [smem:$0x3FFD];
	_ =	sdelay $0x3  }
0x96: {  	_ =	strace s2  }
0x97: {  	_ =	strace $0x8FFFFFFF  }
0x98: {  	s18 =	sld [smem:$0x3FDB];
	_ =	sdelay $0x1  }
0x99: {  	s19 =	simm.s32 $_scs_section_size  }
0x9a: {  	s4 =	simm.s32 $_size__tile_overlayer_lowered;
	s5 =	simm.s32 $_tile_overlayer_lowered  }
0x9b: {  	s22 =	simm.s32 $0x1BFF;
	s21 =	sshll.u32 s5, $0x1;
	s2 =	sadd.s32 s19, s18  }
0x9c: {  	s6 =	simm.s32 $0x0;
	s20 =	sshll.u32 s4, $0x1;
	s4 =	sadd.s32 s21, s2  }
0x9d: {  	[timem:s6], [sflag:s22] =	dma.local [hbm:s4], s20  }
0x9e: {  	_ =	swait.ge [sflag:s22], s20  }
0x9f: {  	s3 =	ssub.s32 $0x0, s20;
	[sflag:s22] =	ssyncset.done $0x0  }
0xa0: {  	[sflag:s22] =	ssyncadd.s32 s3;
	_ =	sdelay $0x1  }
0xa1: {  	s23 =	simm.s32 $0x1B8B  }
0xa2: {  	_ =	swait.ge [sflag:s23], $0x1  }
0xa3: {  	[sflag:s23] =	ssyncset.done $0x0  }
0xa4: {  	s25 =	simm.s32 $0x1B8E;
	s24 =	sld [smem:$0x3FFE];
	[sflag:s23] =	ssyncadd.s32 $0xFFFFFFFF  }
0xa5: {  	s26 =	simm.s32 $execute0_lowered;
	[smem:$0x3FD2] =	sst s25  }
0xa6: {  	s4 =	sshll.u32 s26, $0x1;
	_ =	strace $0x80000046;
	[dreg:$0x1] =	wrdreg $0xFFFFFFFF  }
0xa7: {  	s28 =	simm.s32 $_size_execute0_lowered;
	s2 =	sadd.s32 s2, s4;
	[dreg:$0x0] =	wrdreg $0x0  }
0xa8: {  	s4 =	sshll.u32 s28, $0x1;
	[dreg:$0x2] =	wrdreg s2  }
0xa9: {  	[dreg:$0x3] =	wrdreg s4  }
0xaa: {  	[dreg:$0x4] =	wrdreg $0xC0  }
0xab: {  	_ =	task [dreg:s6], $0x5FFFF  }
0xac: {  	[dreg:$0x1] =	wrdreg $0xFFFFFFFF  }
0xad: {  	[dreg:$0x0] =	wrdreg $0x60  }
0xae: {  	[dreg:$0x2] =	wrdreg s24  }
0xaf: {  	[dreg:$0x3] =	wrdreg $0x2B000  }
0xb0: {  	[dreg:$0x4] =	wrdreg $0x9  }
0xb1: {  	_ =	task.clear_ibuf [dreg:s6], $0x5FFFF;
	_ =	strace $0x90000046  }
0xb2: {  	s29 =	simm.s32 $0x9;
	_ =	strace $0x80000048  }
0xb3: {  	_ =	swait.ge [sflag:s29], $0x1  }
0xb4: {  	[sflag:s29] =	ssyncadd.s32 $0xFFFFFFFF  }
0xb5: {  	_ =	strace $0x90000048  }
0xb6: {  	_ =	sfence  }
0xb7: {  	s30 =	sld [smem:$0x0];
	_ =	sdelay $0x2  }
0xb8: {  	s31 =	sshll.u32 s1, $0xD;
	s1 =	sshrl.u32 s1, $0x2  }
0xb9: {  	s3 =	sand.u32 $0x4000, s31;
	s1 =	sadd.s32 s1, s30  }
0xba: {  	s0 =	sor.u32 s3, s0;
	s1 =	sshll.u32 s1, $0x11  }
0xbb: {  	s0 =	sor.u32 s1, s0  }
0xbc: {  	s0 =	sadd.s32 $0x8F2B, s0  }
0xbd: {  	[sflag:s0] =	ssyncadd.remote.s32 $0x1  }
0xbe: {  	_ =	sfence.sel $0xFFFF  }
0xbf: {  	[dreg:$0x0] =	wrdreg $0xFFFFFFFF;
	(pc) =	sbr.abs _section_cstart, $3  }
0xc0: {  	[dreg:$0x1] =	wrdreg $0xFFFFFFFF  }
0xc1: {  	_ =	task.clear_ibuf [dreg:s6], $0x2FFFF;
	_ =	strace $0x9FFFFFFF  }
0xc2: {  	(tm) =	ssettm $0x7FFFFFFF  }
0xc3: {  	_ =	shalt  }
tec
execute0_lowered:
.L_overlay_start_1:
0x0: {  	(tag) =	ssettag $0x1  }
0x1: {  	s4 =	rddreg [dreg:$0x0]  }
0x2: {  	s2 =	rddreg [dreg:$0x1];
	s3 =	srdreg.scid  }
0x3: {  	s1 =	stileid.u32;
	s0 =	rddreg [dreg:$0x2];
	s10 =	simm.s32 $0x80  }
0x4: {  	s11 =	simm.s32 $0x2800;
	s14 =	simm.s32 $0x0;
	s5 =	sand.u32 $0x1, s3  }
0x5: {  	s6 =	smul.u32 $0x280, s1;
	s3 =	simm.s32 $0x0;
	s12 =	sshll.u32 s1, $0x6  }
0x6: {  	s7 =	sshll.u32 s5, $0x4;
	s8 =	smul.u32 $0x2800, s5;
	[smem:$0x7FF] =	sst s3  }
0x7: {  	s5 =	ssub.s32 $0x2, s5;
	s12 =	sor.u32 $0x1C01, s12;
	s7 =	sor.u32 s1, s7  }
0x8: {  	s9 =	sshrl.u32 s5, $0x1;
	s7 =	smul.u32 $0x500, s7;
	s8 =	sadd.s32 s6, s8  }
0x9: {  	_ =	strace $0x80000047;
	s9 =	ssub.s32 s5, s9;
	s8 =	sshrl.u32 s8, $0x3  }
0xa: {  	s7 =	sadd.s32 s7, s4;
	s8 =	sadd.s32 s8, s4;
	s4 =	sadd.s32 s6, s2  }
0xb: {  	s5 =	sadd.s32 $0x1C00, s7;
	s6 =	sadd.s32 $0xBC00, s8;
	s7 =	smax.u32 s9, $0x1  }
0xc: {  	v0 =	vimm.f32 $1.000000000e+00;
	v1 =	vimm.f32 $0.0e+00;
	s8 =	simm.s32 $0x2880;
	s9 =	simm.s32 $0x1;
	s13 =	sshrl.u32 s4, $0x3  }
.LBB2_1:
0xd: {  	[tilespmem:$0x2800] =	vst v0  }
0xe: {  	[tilespmem:$0x2810] =	vst v0  }
0xf: {  	[tilespmem:$0x2820] =	vst v0  }
0x10: {  	[tilespmem:$0x2830] =	vst v0  }
0x11: {  	[tilespmem:$0x2840] =	vst v0  }
0x12: {  	[tilespmem:$0x2850] =	vst v0  }
0x13: {  	[tilespmem:$0x2860] =	vst v0  }
0x14: {  	[tilespmem:$0x2870] =	vst v0  }
0x15: {  	[tilespmem:$0x2880] =	vst v1  }
0x16: {  	[tilespmem:$0x2890] =	vst v1  }
0x17: {  	[tilespmem:$0x28A0] =	vst v1  }
0x18: {  	[tilespmem:$0x28B0] =	vst v1  }
0x19: {  	[tilespmem:$0x28C0] =	vst v1  }
0x1a: {  	[tilespmem:$0x28D0] =	vst v1  }
0x1b: {  	[tilespmem:$0x28E0] =	vst v1  }
0x1c: {  	[tilespmem:$0x28F0] =	vst v1  }
0x1d: {  	[tilespmem:$0x2900] =	vst v1  }
0x1e: {  	[tilespmem:$0x2910] =	vst v1  }
0x1f: {  	[tilespmem:$0x2920] =	vst v1  }
0x20: {  	[tilespmem:$0x2930] =	vst v1  }
0x21: {  	[tilespmem:$0x2940] =	vst v1  }
0x22: {  	[tilespmem:$0x2950] =	vst v1  }
0x23: {  	[tilespmem:$0x2960] =	vst v1  }
0x24: {  	[tilespmem:$0x2970] =	vst v1  }
0x25: {  	[tilespmem:$0x2980] =	vst v1  }
0x26: {  	[tilespmem:$0x2990] =	vst v1  }
0x27: {  	[tilespmem:$0x29A0] =	vst v1  }
0x28: {  	[tilespmem:$0x29B0] =	vst v1  }
0x29: {  	[tilespmem:$0x29C0] =	vst v1  }
0x2a: {  	[tilespmem:$0x29D0] =	vst v1  }
0x2b: {  	[tilespmem:$0x29E0] =	vst v1  }
0x2c: {  	[tilespmem:$0x29F0] =	vst v1  }
0x2d: {  	[tilespmem:$0x2A00] =	vst v1  }
0x2e: {  	[tilespmem:$0x2A10] =	vst v1  }
0x2f: {  	[tilespmem:$0x2A20] =	vst v1  }
0x30: {  	[tilespmem:$0x2A30] =	vst v1  }
0x31: {  	[tilespmem:$0x2A40] =	vst v1  }
0x32: {  	[tilespmem:$0x2A50] =	vst v1  }
0x33: {  	[tilespmem:$0x2A60] =	vst v1  }
0x34: {  	[tilespmem:$0x2A70] =	vst v1  }
0x35: {  	[tilespmem:$0x2A80] =	vst v1  }
0x36: {  	[tilespmem:$0x2A90] =	vst v1  }
0x37: {  	[tilespmem:$0x2AA0] =	vst v1  }
0x38: {  	[tilespmem:$0x2AB0] =	vst v1  }
0x39: {  	[tilespmem:$0x2AC0] =	vst v1  }
0x3a: {  	[tilespmem:$0x2AD0] =	vst v1  }
0x3b: {  	[tilespmem:$0x2AE0] =	vst v1  }
0x3c: {  	[tilespmem:$0x2AF0] =	vst v1  }
0x3d: {  	[spmem:s4] =	stream.linear.scatter [tilespmem:s8], [sflag:$0x1], $0x280, $0x38;
	[tilespmem:$0x2D80] =	vst v63  }
0x3e: {  	_ =	swait.ge [sflag:s9], $0x280  }
0x3f: {  	[sflag:s9] =	ssyncset.done $0x0  }
0x40: {  	[sflag:s9] =	ssyncadd.s32 $0xFFFFFD80  }
0x41: {  	[bflag:$0x0] =	sbarrier.arrive $0xFFFF  }
0x42: {  	[tilespmem:s3], [sflag:$0x1] =	stream.linear.gather [hbm4b:s5+s3], $0x2800, $0x38;
	[tilespmem:$0x2D80] =	vst v63  }
0x43: {  	_ =	swait.ge [sflag:s9], $0x2800  }
0x44: {  	[sflag:s9] =	ssyncset.done $0x0  }
0x45: {  	s15 =	simm.s32 $0x0;
	[sflag:s9] =	ssyncadd.s32 $0xFFFFD800  }
0x46: {  	[spmem:s2] =	stream.indirect.scatter.add.f32 [tilespmem:s11], [sflag:$0x1], $0x1, s15, s10, $0xb8;
	[tilespmem:$0x2D80] =	vst v63  }
0x47: {  	_ =	swait.ge [sflag:s9], $0x80  }
0x48: {  	s15 =	simm.s32 $0x200;
	[sflag:s9] =	ssyncset.done $0x0  }
.LBB2_2:
0x49: {  	s16 =	sshra.s32 s15, $0x2;
	[sflag:s9] =	ssyncadd.s32 $0xFFFFFF80;
	p0 =	sne.s32 s15, $0x9E00  }
0x4a: {  	[spmem:s2] =	stream.indirect.scatter.add.f32 [tilespmem:s11], [sflag:$0x1], $0x1, s16, s10, $0xb8;
	[tilespmem:$0x2D80] =	vst v63  }
.Ltmp0:
0x4b: {  	_ = 	snop;
	(pc) =	sbr.rel @p0 .LBB2_2-.Ltmp0, $4  }
0x4c: {  	_ = 	snop  }
0x4d: {  	s15 =	sadd.s32 $0x200, s15  }
0x4e: {  	_ =	swait.ge [sflag:s9], $0x80  }
0x4f: {  	[sflag:s9] =	ssyncset.done $0x0  }
0x50: {  	s14 =	sadd.s32 $0x1, s14  }
0x51: {  	[sflag:s9] =	ssyncadd.s32 $0xFFFFFF80;
	p0 =	sne.s32 s14, s7  }
.Ltmp1:
0x52: {  	[bflag:$0x0] =	sbarrier.arrive $0xFFFF;
	(pc) =	sbr.rel @p0 .LBB2_1-.Ltmp1, $4  }
0x53: {  	[hbm:s6], [sflag:s12] =	dma.local [spmem:s13], $0x50  }
0x54: {  	_ =	swait.ge [sflag:s9], $0x50  }
0x55: {  	[sflag:s9] =	ssyncset.done $0x0  }
0x56: {  	[sflag:s9] =	ssyncadd.s32 $0xFFFFFFB0  }
0x57: {  	_ =	sfence.sel $0x180000  }
0x58: {  	[bflag:$0x0] =	sbarrier.arrive $0xFFFF  }
0x59: {  	p0 =	sne.s32 s1, $0x0;
	_ =	strace $0x90000047  }
0x5a: {  	s0 =	sadd.s32 @!p0 $0x100000, s0;
	[bflag:$0x2] =	sbarrier.arrive $0xFFFF  }
0x5b: {  	[sflag:s0] =	ssyncadd.tile.s32 @!p0 $0x1;
	_ =	shalt  }
.Lfunc_end2:
_tile_overlayer_lowered:
.L_overlay_start_2:
0x5c: {  	(tag) =	ssettag $0x2  }
0x5d: {  	s0 =	rddreg [dreg:$0x0];
	s2 =	stileid.u32  }
0x5e: {  	s1 =	rddreg [dreg:$0x1];
	p0 =	sne.s32 s2, $0x0  }
0x5f: {  	s3 =	rddreg [dreg:$0x2];
	[bflag:$0x3] =	sbarrier.arrive $0xFFFF;
	s2 =	simm.s32 @!p0 $0x1C01  }
0x60: {  	[timem:s3], [sflag:s2] =	dma.local @!p0 [hbm:s0], s1  }
0x61: {  	s0 =	simm.s32 @!p0 $0x1  }
0x62: {  	_ =	swait.ge @!p0 [sflag:s0], s1  }
0x63: {  	s1 =	ssub.s32 @!p0 $0x0, s1;
	[sflag:s0] =	ssyncset.done @!p0 $0x0  }
0x64: {  	[sflag:s0] =	ssyncadd.s32 @!p0 s1  }
0x65: {  	[bflag:$0x3] =	sbarrier.arrive $0xFFFF  }
0x66: {  	_ =	shalt  }

// kernel: kernel.9.cloned.1.call-start
scs
__scs_entry_jumppad:
0x0: {  	(pc) =	sbr.rel $0x88, $3  }
0x1: {  	(tag) =	ssettag $0x0;
	lr =	simm.s32 $0x1  }
0x2: {  	[smem:$0x3F9D] =	sst lr;
	_ =	strace $0xD0000000  }
0x3: {  	_ = 	snop  }
0x4: {  	_ = 	snop  }
0x5: {  	_ = 	snop  }
0x6: {  	_ = 	snop  }
0x7: {  	_ = 	snop  }
__scs_overlays_trampoline_lowered:
0x8: {  	[smem:$0x3FAC] =	sst s0  }
0x9: {  	[smem:$0x3FAD] =	sst s1  }
0xa: {  	[smem:$0x3FAE] =	sst s2  }
0xb: {  	[smem:$0x3FAF] =	sst s3  }
0xc: {  	[smem:$0x3FB0] =	sst s4  }
0xd: {  	[smem:$0x3FB1] =	sst s5  }
0xe: {  	[smem:$0x3FB2] =	sst s6  }
0xf: {  	[smem:$0x3FB3] =	sst s7  }
0x10: {  	[smem:$0x3FB4] =	sst s8  }
0x11: {  	[smem:$0x3FB5] =	sst s9;
	s0 =	simm.s32 @!p0 $0x0  }
0x12: {  	s1 =	sld [smem:$0x3F9B];
	s0 =	simm.s32 @p0 $0x1  }
0x13: {  	[smem:$0x3FB6] =	sst s0;
	s0 =	simm.s32 @!p1 $0x0  }
0x14: {  	s2 =	sld [smem:$0x3F9A];
	s0 =	simm.s32 @p1 $0x1  }
0x15: {  	[smem:$0x3FB7] =	sst s0;
	s0 =	simm.s32 @!p2 $0x0  }
0x16: {  	s3 =	sld [smem:$0x3FDB];
	s0 =	simm.s32 @p2 $0x1  }
0x17: {  	s4 =	simm.s32 $0x1BF5;
	[smem:$0x3FB9] =	sst s0  }
0x18: {  	s0 =	sld [smem:$0x3F9C];
	_ =	swait.ge [sflag:s4], $0x0  }
0x19: {  	s7 =	sld [smem:$0x3F9D]  }
0x1a: {  	s8 =	sadd.s32 $0xFFFFE003, lr  }
0x1b: {  	s9 =	sadd.s32 $0xFFFFFEF7, lr;
	s5 =	simm.s32 $0xFFFFFFFF;
	p2 =	slt.u32 s8, $0xFFFFF086  }
0x1c: {  	p1 =	slt.u32 s9, $0xF7A;
	s5 =	simm.s32 @!p2 $0x0  }
0x1d: {  	s5 =	simm.s32 @p1 $0x1;
	p0 =	seq.s32 s7, s2  }
0x1e: {  	s7 =	smul.u32 @!p0 $0xF7A, s2;
	p2 =	seq.s32 @!p0 s5, $0x0  }
0x1f: {  	s9 =	smul.u32 $0xF7A, s1;
	s8 =	simm.s32 @!p0 $0x1BF5;
	p2 =	por !p2, p0  }
0x20: {  	[sflag:s8] =	ssyncset.s32 @!p0 $0xFFFFF086;
	s6 =	sadd.s32 @!p0 s3, s7;
	s7 =	simm.s32 @!p0 $0x108  }
0x21: {  	s3 =	sadd.s32 s3, s9;
	s6 =	sadd.s32 @!p0 $0x88, s6;
	s7 =	simm.s32 @p2 $0x1082  }
0x22: {  	[simem:s7], [sflag:s8] =	dma.local @!p0 [hbm:s6], $0xF7A  }
0x23: {  	s9 =	sor.u32 $0xD0000000, s2;
	s6 =	simm.s32 $0x108;
	_ =	swait.ge @!p0 [sflag:s8], $0x0  }
0x24: {  	s3 =	sadd.s32 $0x88, s3;
	s6 =	simm.s32 @!p1 $0x1082;
	[sflag:s4] =	ssyncset.s32 $0xFFFFF086  }
0x25: {  	[simem:s6], [sflag:s4] =	dma.local [hbm:s3], $0xF7A  }
0x26: {  	[smem:$0x3F9D] =	sst s1;
	(tag) =	ssettag s2;
	_ =	strace s9  }
0x27: {  	s1 =	sld [smem:$0x3FAD]  }
0x28: {  	s2 =	sld [smem:$0x3FAE]  }
0x29: {  	s4 =	sld [smem:$0x3FB0]  }
0x2a: {  	p0 =	seq.s32 s5, $0x0;
	s5 =	sld [smem:$0x3FB1]  }
0x2b: {  	s6 =	sld [smem:$0x3FB2]  }
0x2c: {  	s7 =	sld [smem:$0x3FB3]  }
0x2d: {  	s3 =	simm.s32 $0x108;
	s8 =	sld [smem:$0x3FB4]  }
0x2e: {  	s3 =	simm.s32 @!p0 $0x1082;
	s9 =	sld [smem:$0x3FB5]  }
0x2f: {  	lr =	sadd.s32 s0, s3;
	s0 =	sld [smem:$0x3FAC]  }
0x30: {  	s3 =	sld [smem:$0x3FAF]  }
0x31: {  	[smem:$0x3FB8] =	sst s10  }
0x32: {  	s10 =	sld [smem:$0x3FB6];
	_ =	sdelay $0x3  }
0x33: {  	p0 =	seq.s32 s10, $0x1;
	s10 =	sld [smem:$0x3FB8];
	_ =	sdelay $0x3  }
0x34: {  	[smem:$0x3FB8] =	sst s10  }
0x35: {  	s10 =	sld [smem:$0x3FB7];
	_ =	sdelay $0x3  }
0x36: {  	p1 =	seq.s32 s10, $0x1;
	s10 =	sld [smem:$0x3FB8];
	_ =	sdelay $0x3  }
0x37: {  	[smem:$0x3FB8] =	sst s10  }
0x38: {  	s10 =	sld [smem:$0x3FB9]  }
0x39: {  	_ = 	snop;
	(pc) =	sbr.ind lr, $3  }
0x3a: {  	_ = 	snop  }
0x3b: {  	_ = 	snop  }
0x3c: {  	p2 =	seq.s32 s10, $0x1;
	s10 =	sld [smem:$0x3FB8]  }
0x3d: {  	_ =	shalt  }
0x3e: {  	_ =	shalt  }
0x3f: {  	_ =	shalt  }
0x40: {  	_ =	shalt  }
0x41: {  	_ =	shalt  }
0x42: {  	_ =	shalt  }
0x43: {  	_ =	shalt  }
0x44: {  	_ =	shalt  }
0x45: {  	_ =	shalt  }
0x46: {  	_ =	shalt  }
0x47: {  	_ =	shalt  }
0x48: {  	_ =	shalt  }
0x49: {  	_ =	shalt  }
0x4a: {  	_ =	shalt  }
0x4b: {  	_ =	shalt  }
0x4c: {  	_ =	shalt  }
0x4d: {  	_ =	shalt  }
0x4e: {  	_ =	shalt  }
0x4f: {  	_ =	shalt  }
0x50: {  	_ =	shalt  }
0x51: {  	_ =	shalt  }
0x52: {  	_ =	shalt  }
0x53: {  	_ =	shalt  }
0x54: {  	_ =	shalt  }
0x55: {  	_ =	shalt  }
0x56: {  	_ =	shalt  }
0x57: {  	_ =	shalt  }
0x58: {  	_ =	shalt  }
0x59: {  	_ =	shalt  }
0x5a: {  	_ =	shalt  }
0x5b: {  	_ =	shalt  }
0x5c: {  	_ =	shalt  }
0x5d: {  	_ =	shalt  }
0x5e: {  	_ =	shalt  }
0x5f: {  	_ =	shalt  }
0x60: {  	_ =	shalt  }
0x61: {  	_ =	shalt  }
0x62: {  	_ =	shalt  }
0x63: {  	_ =	shalt  }
0x64: {  	_ =	shalt  }
0x65: {  	_ =	shalt  }
0x66: {  	_ =	shalt  }
0x67: {  	_ =	shalt  }
0x68: {  	_ =	shalt  }
0x69: {  	_ =	shalt  }
0x6a: {  	_ =	shalt  }
0x6b: {  	_ =	shalt  }
0x6c: {  	_ =	shalt  }
0x6d: {  	_ =	shalt  }
0x6e: {  	_ =	shalt  }
0x6f: {  	_ =	shalt  }
0x70: {  	_ =	shalt  }
0x71: {  	_ =	shalt  }
0x72: {  	_ =	shalt  }
0x73: {  	_ =	shalt  }
0x74: {  	_ =	shalt  }
0x75: {  	_ =	shalt  }
0x76: {  	_ =	shalt  }
0x77: {  	_ =	shalt  }
0x78: {  	_ =	shalt  }
0x79: {  	_ =	shalt  }
0x7a: {  	_ =	shalt  }
0x7b: {  	_ =	shalt  }
0x7c: {  	_ =	shalt  }
0x7d: {  	_ =	shalt  }
0x7e: {  	_ =	shalt  }
0x7f: {  	_ =	shalt  }
0x80: {  	_ =	shalt  }
0x81: {  	_ =	shalt  }
0x82: {  	_ =	shalt  }
0x83: {  	_ =	shalt  }
0x84: {  	_ =	shalt  }
0x85: {  	_ =	shalt  }
0x86: {  	_ =	shalt  }
0x87: {  	_ =	shalt  }
.Lfunc_end0:
.L_simem_size_0:
called_computation.1_lowered:
.L_overlay_start_0:
0x88: {  	s2 =	sld [smem:$0x3FD9]  }
0x89: {  	s3 =	sld [smem:$0x3FFE];
	_ =	sdelay $0x1  }
0x8a: {  	s1 =	srdreg.scid  }
0x8b: {  	s0 =	sand.u32 $0x1, s1  }
0x8c: {  	s17 =	sshll.u32 s0, $0xA;
	s2 =	sadd.s32 s3, s2  }
0x8d: {  	s2 =	sadd.s32 s2, s17  }
0x8e: {  	[smem:$0x3FC4] =	sst s2  }
0x8f: {  	_ = 	snop  }
0x90: {  	s2 =	sld [smem:$0x3FD0];
	(tm) =	ssettm $0x1  }
0x91: {  	s18 =	sld [smem:$0x3FFB];
	_ =	sdelay $0x3  }
0x92: {  	_ =	strace s18  }
0x93: {  	s3 =	sld [smem:$0x3FFC];
	_ =	sdelay $0x3  }
0x94: {  	_ =	strace s3  }
0x95: {  	s3 =	sld [smem:$0x3FFD];
	_ =	sdelay $0x3  }
0x96: {  	_ =	strace s3  }
0x97: {  	_ =	strace $0x8FFFFFFF  }
0x98: {  	s19 =	sld [smem:$0x3FDB];
	_ =	sdelay $0x1  }
0x99: {  	s4 =	simm.s32 $_scs_section_size  }
0x9a: {  	s5 =	simm.s32 $_size__tile_overlayer_lowered;
	s6 =	simm.s32 $_tile_overlayer_lowered  }
0x9b: {  	s22 =	simm.s32 $0x1BFF;
	s21 =	sshll.u32 s6, $0x1;
	s3 =	sadd.s32 s4, s19  }
0x9c: {  	s7 =	simm.s32 $0x0;
	s20 =	sshll.u32 s5, $0x1;
	s5 =	sadd.s32 s21, s3  }
0x9d: {  	[timem:s7], [sflag:s22] =	dma.local [hbm:s5], s20  }
0x9e: {  	_ =	swait.ge [sflag:s22], s20  }
0x9f: {  	s4 =	ssub.s32 $0x0, s20;
	[sflag:s22] =	ssyncset.done $0x0  }
0xa0: {  	[sflag:s22] =	ssyncadd.s32 s4;
	_ =	sdelay $0x1  }
0xa1: {  	s23 =	simm.s32 $0x1B8B  }
0xa2: {  	_ =	swait.ge [sflag:s23], $0x1  }
0xa3: {  	[sflag:s23] =	ssyncset.done $0x0  }
0xa4: {  	s25 =	simm.s32 $0x1B8E;
	s24 =	sld [smem:$0x3FFE];
	[sflag:s23] =	ssyncadd.s32 $0xFFFFFFFF  }
0xa5: {  	s26 =	simm.s32 $execute0_lowered;
	[smem:$0x3FD2] =	sst s25  }
0xa6: {  	s5 =	sshll.u32 s26, $0x1;
	_ =	strace $0x80000049;
	[dreg:$0x1] =	wrdreg $0xFFFFFFFF  }
0xa7: {  	s28 =	simm.s32 $_size_execute0_lowered;
	s3 =	sadd.s32 s3, s5;
	[dreg:$0x0] =	wrdreg $0x0  }
0xa8: {  	s5 =	sshll.u32 s28, $0x1;
	[dreg:$0x2] =	wrdreg s3  }
0xa9: {  	[dreg:$0x3] =	wrdreg s5  }
0xaa: {  	[dreg:$0x4] =	wrdreg $0xC0  }
0xab: {  	_ =	task [dreg:s7], $0x5FFFF  }
0xac: {  	[dreg:$0x1] =	wrdreg $0xFFFFFFFF  }
0xad: {  	[dreg:$0x0] =	wrdreg $0x60  }
0xae: {  	[dreg:$0x2] =	wrdreg s24  }
0xaf: {  	[dreg:$0x3] =	wrdreg s2  }
0xb0: {  	[dreg:$0x4] =	wrdreg $0xA8000  }
0xb1: {  	[dreg:$0x5] =	wrdreg $0x9  }
0xb2: {  	_ =	task.clear_ibuf [dreg:s7], $0x6FFFF;
	_ =	strace $0x90000049  }
0xb3: {  	s29 =	simm.s32 $0x9;
	_ =	strace $0x8000004B  }
0xb4: {  	_ =	swait.ge [sflag:s29], $0x1  }
0xb5: {  	[sflag:s29] =	ssyncadd.s32 $0xFFFFFFFF  }
0xb6: {  	_ =	strace $0x9000004B  }
0xb7: {  	_ =	sfence  }
0xb8: {  	s30 =	sld [smem:$0x0];
	_ =	sdelay $0x2  }
0xb9: {  	s31 =	sshll.u32 s1, $0xD;
	s1 =	sshrl.u32 s1, $0x2  }
0xba: {  	s3 =	sand.u32 $0x4000, s31;
	s1 =	sadd.s32 s1, s30  }
0xbb: {  	s0 =	sor.u32 s3, s0;
	s1 =	sshll.u32 s1, $0x11  }
0xbc: {  	s0 =	sor.u32 s1, s0  }
0xbd: {  	s0 =	sadd.s32 $0x8F2B, s0  }
0xbe: {  	[sflag:s0] =	ssyncadd.remote.s32 $0x1  }
0xbf: {  	_ =	sfence.sel $0xFFFF  }
0xc0: {  	[dreg:$0x0] =	wrdreg $0xFFFFFFFF;
	(pc) =	sbr.abs _section_cstart, $3  }
0xc1: {  	[dreg:$0x1] =	wrdreg $0xFFFFFFFF  }
0xc2: {  	_ =	task.clear_ibuf [dreg:s7], $0x2FFFF;
	_ =	strace $0x9FFFFFFF  }
0xc3: {  	(tm) =	ssettm $0x7FFFFFFF  }
tec
execute0_lowered:
.L_overlay_start_1:
0x0: {  	(tag) =	ssettag $0x1  }
0x1: {  	s5 =	rddreg [dreg:$0x0]  }
0x2: {  	s12 =	rddreg [dreg:$0x1];
	s0 =	srdreg.scid  }
0x3: {  	s2 =	rddreg [dreg:$0x2];
	s1 =	stileid.u32  }
0x4: {  	s3 =	simm.s32 $0x0;
	s17 =	simm.s32 $0x5;
	s18 =	simm.s32 $0x1400  }
0x5: {  	s19 =	simm.s32 $0x80;
	s20 =	simm.s32 $0x1;
	s21 =	simm.s32 $0x1480  }
0x6: {  	s22 =	simm.s32 $0x6800;
	s23 =	simm.s32 $0x2;
	s24 =	simm.s32 $0x3  }
0x7: {  	s25 =	simm.s32 $0x4;
	s6 =	sand.u32 $0x1, s0;
	s0 =	rddreg [dreg:$0x3]  }
0x8: {  	s26 =	simm.s32 $0x0;
	s8 =	smul.u32 $0x13C00, s1;
	[smem:$0x7FF] =	sst s3  }
0x9: {  	s4 =	sadd.s32 $0xBC00, s5;
	s13 =	sadd.s32 $0x1C00, s5;
	s28 =	smul.u32 $0x4F000, s1  }
0xa: {  	s7 =	smul.u32 $0x13C000, s6;
	s29 =	ssub.s32 $0x2, s6;
	s6 =	sshll.u32 s6, $0x4  }
0xb: {  	_ =	strace $0x8000004A;
	s30 =	sshrl.u32 s29, $0x1;
	s9 =	sor.u32 s1, s6  }
0xc: {  	s31 =	sshrl.u32 s28, $0x2;
	s7 =	sadd.s32 s8, s7;
	s10 =	smul.u32 $0x2800, s9  }
0xd: {  	s15 =	ssub.s32 s29, s30;
	s11 =	smul.u32 $0x500, s9;
	s7 =	sshrl.u32 s7, $0x3  }
0xe: {  	s15 =	smax.u32 s15, $0x1;
	s14 =	sadd.s32 s7, s5;
	s5 =	sadd.s32 s31, s2  }
0xf: {  	s16 =	sshrl.u32 s10, $0x3;
	s10 =	sadd.s32 s12, s11;
	s11 =	sadd.s32 s13, s11  }
0x10: {  	s6 =	sadd.s32 $0x4000, s5;
	s7 =	sadd.s32 $0x8000, s5;
	s8 =	sadd.s32 $0xC000, s5  }
0x11: {  	s9 =	sadd.s32 $0x10000, s5;
	s16 =	sadd.s32 $0x280, s16;
	s14 =	sadd.s32 $0x33400, s14  }
0x12: {  	v0 =	vimm.f32 $0.0e+00;
	s12 =	sadd.s32 s12, s16;
	s13 =	sadd.s32 s13, s16;
	s16 =	simm.s32 $0x2800  }
.LBB2_1:
0x13: {  	s28 =	simm.s32 $0x0;
	s29 =	simm.s32 $0x200  }
.LBB2_2:
0x14: {  	p0 =	sne.s32 s29, $0xFE00;
	[tilespmem:s28+$0x2870] =	vst v0  }
0x15: {  	[tilespmem:s28+$0x2800] =	vst v0  }
0x16: {  	[tilespmem:s28+$0x2810] =	vst v0  }
.Ltmp0:
0x17: {  	[tilespmem:s28+$0x2820] =	vst v0;
	(pc) =	sbr.rel @p0 .LBB2_2-.Ltmp0, $4  }
0x18: {  	[tilespmem:s28+$0x2830] =	vst v0  }
0x19: {  	[tilespmem:s28+$0x2840] =	vst v0  }
0x1a: {  	[tilespmem:s28+$0x2850] =	vst v0  }
0x1b: {  	[tilespmem:s28+$0x2860] =	vst v0;
	s28 =	sshra.s32 s29, $0x2;
	s29 =	sadd.s32 $0x200, s29  }
0x1c: {  	[tilespmem:s28+$0x2870] =	vst v0  }
0x1d: {  	[tilespmem:s28+$0x2800] =	vst v0  }
0x1e: {  	[tilespmem:s28+$0x2810] =	vst v0  }
0x1f: {  	[tilespmem:s28+$0x2820] =	vst v0  }
0x20: {  	[tilespmem:s28+$0x2830] =	vst v0  }
0x21: {  	[tilespmem:s28+$0x2840] =	vst v0  }
0x22: {  	[tilespmem:s28+$0x2850] =	vst v0  }
0x23: {  	[tilespmem:s28+$0x2860] =	vst v0  }
0x24: {  	[spmem:s5] =	stream.linear.scatter [tilespmem:s16], [sflag:$0x5], $0x4000, $0x38;
	[tilespmem:$0x1E400] =	vst v63  }
0x25: {  	_ =	swait.ge [sflag:s17], $0x4000  }
0x26: {  	[sflag:s17] =	ssyncset.done $0x0  }
0x27: {  	[sflag:s17] =	ssyncadd.s32 $0xFFFFC000  }
0x28: {  	[spmem:s6] =	stream.linear.scatter [tilespmem:s16], [sflag:$0x5], $0x4000, $0x38;
	[tilespmem:$0x1E400] =	vst v63  }
0x29: {  	_ =	swait.ge [sflag:s17], $0x4000  }
0x2a: {  	[sflag:s17] =	ssyncset.done $0x0  }
0x2b: {  	[sflag:s17] =	ssyncadd.s32 $0xFFFFC000  }
0x2c: {  	[spmem:s7] =	stream.linear.scatter [tilespmem:s16], [sflag:$0x5], $0x4000, $0x38;
	[tilespmem:$0x1E400] =	vst v63  }
0x2d: {  	_ =	swait.ge [sflag:s17], $0x4000  }
0x2e: {  	[sflag:s17] =	ssyncset.done $0x0  }
0x2f: {  	[sflag:s17] =	ssyncadd.s32 $0xFFFFC000  }
0x30: {  	[spmem:s8] =	stream.linear.scatter [tilespmem:s16], [sflag:$0x5], $0x4000, $0x38;
	[tilespmem:$0x1E400] =	vst v63  }
0x31: {  	_ =	swait.ge [sflag:s17], $0x4000  }
0x32: {  	[sflag:s17] =	ssyncset.done $0x0  }
0x33: {  	[sflag:s17] =	ssyncadd.s32 $0xFFFFC000  }
0x34: {  	[spmem:s9] =	stream.linear.scatter [tilespmem:s16], [sflag:$0x5], $0x3C00, $0x38;
	[tilespmem:$0x1E400] =	vst v63  }
0x35: {  	_ =	swait.ge [sflag:s17], $0x3C00  }
0x36: {  	[sflag:s17] =	ssyncset.done $0x0  }
0x37: {  	[sflag:s17] =	ssyncadd.s32 $0xFFFFC400  }
0x38: {  	[bflag:$0x0] =	sbarrier.arrive $0xFFFF  }
0x39: {  	[tilespmem:s3], [sflag:$0x5] =	stream.linear.gather [hbm4b:s10+s3], $0x1400, $0x38;
	[tilespmem:$0x1E400] =	vst v63  }
0x3a: {  	_ =	swait.ge [sflag:s17], $0x1400  }
0x3b: {  	[sflag:s17] =	ssyncset.done $0x0  }
0x3c: {  	[sflag:s17] =	ssyncadd.s32 $0xFFFFEC00  }
0x3d: {  	[tilespmem:s18], [sflag:$0x5] =	stream.linear.gather [hbm4b:s11+s3], $0x1400, $0x38;
	[tilespmem:$0x1E400] =	vst v63  }
0x3e: {  	_ =	swait.ge [sflag:s17], $0x1400  }
0x3f: {  	[sflag:s17] =	ssyncset.done $0x0  }
0x40: {  	[sflag:s17] =	ssyncadd.s32 $0xFFFFEC00  }
0x41: {  	[tilespmem:s16], [sflag:$0x1] =	stream.indirect.gather [hbm4b:s4+s19], $0x80, s18, s19, $0xb8;
	[tilespmem:$0x1E400] =	vst v63  }
0x42: {  	_ =	swait.ge [sflag:s20], $0x4000  }
0x43: {  	[sflag:s20] =	ssyncset.done $0x0  }
0x44: {  	[sflag:s20] =	ssyncadd.s32 $0xFFFFC000  }
0x45: {  	[spmem:s2] =	stream.indirect.scatter.add.f32 [tilespmem:s16], [sflag:$0x3], $0x80, s3, s19, $0xb8;
	[tilespmem:$0x1E400] =	vst v63  }
0x46: {  	_ = 	snop  }
0x47: {  	[tilespmem:s22], [sflag:$0x2] =	stream.indirect.gather [hbm4b:s4+s19], $0x80, s21, s19, $0xb8;
	[tilespmem:$0x1E400] =	vst v63  }
0x48: {  	_ =	swait.ge [sflag:s23], $0x4000  }
0x49: {  	[sflag:s23] =	ssyncset.done $0x0  }
0x4a: {  	[sflag:s23] =	ssyncadd.s32 $0xFFFFC000  }
0x4b: {  	[spmem:s2] =	stream.indirect.scatter.add.f32 [tilespmem:s22], [sflag:$0x4], $0x80, s19, s19, $0xb8;
	[tilespmem:$0x1E400] =	vst v63  }
0x4c: {  	_ =	swait.ge [sflag:s24], $0x4000  }
0x4d: {  	[sflag:s24] =	ssyncset.done $0x0  }
0x4e: {  	s28 =	simm.s32 $0x1500;
	[sflag:s24] =	ssyncadd.s32 $0xFFFFC000  }
0x4f: {  	[tilespmem:s16], [sflag:$0x1] =	stream.indirect.gather [hbm4b:s4+s19], $0x80, s28, s19, $0xb8;
	[tilespmem:$0x1E400] =	vst v63  }
0x50: {  	_ =	swait.ge [sflag:s20], $0x4000  }
0x51: {  	[sflag:s20] =	ssyncset.done $0x0  }
0x52: {  	s28 =	simm.s32 $0x100;
	[sflag:s20] =	ssyncadd.s32 $0xFFFFC000  }
0x53: {  	[spmem:s2] =	stream.indirect.scatter.add.f32 [tilespmem:s16], [sflag:$0x3], $0x80, s28, s19, $0xb8;
	[tilespmem:$0x1E400] =	vst v63  }
0x54: {  	_ =	swait.ge [sflag:s25], $0x4000  }
0x55: {  	[sflag:s25] =	ssyncset.done $0x0  }
0x56: {  	s28 =	simm.s32 $0x1580;
	[sflag:s25] =	ssyncadd.s32 $0xFFFFC000  }
0x57: {  	[tilespmem:s22], [sflag:$0x2] =	stream.indirect.gather [hbm4b:s4+s19], $0x80, s28, s19, $0xb8;
	[tilespmem:$0x1E400] =	vst v63  }
0x58: {  	_ =	swait.ge [sflag:s23], $0x4000  }
0x59: {  	[sflag:s23] =	ssyncset.done $0x0  }
0x5a: {  	s29 =	simm.s32 $0x180;
	s28 =	simm.s32 $0xFFFFB800;
	[sflag:s23] =	ssyncadd.s32 $0xFFFFC000  }
.LBB2_4:
0x5b: {  	[spmem:s2] =	stream.indirect.scatter.add.f32 [tilespmem:s22], [sflag:$0x4], $0x80, s29, s19, $0xb8;
	[tilespmem:$0x1E400] =	vst v63  }
0x5c: {  	s29 =	smov.u32 s28  }
0x5d: {  	p0 =	sne.s32 s28, $0xFFFFFC00;
	s28 =	sadd.s32 $0x400, s28;
	_ =	swait.ge [sflag:s24], $0x4000  }
0x5e: {  	s29 =	sshra.s32 s29, $0x2;
	[sflag:s24] =	ssyncset.done $0x0  }
0x5f: {  	s30 =	sadd.s32 $0x2800, s29;
	[sflag:s24] =	ssyncadd.s32 $0xFFFFC000  }
0x60: {  	[tilespmem:s16], [sflag:$0x1] =	stream.indirect.gather [hbm4b:s4+s19], $0x80, s30, s19, $0xb8;
	[tilespmem:$0x1E400] =	vst v63  }
0x61: {  	_ =	swait.ge [sflag:s20], $0x4000  }
0x62: {  	[sflag:s20] =	ssyncset.done $0x0  }
0x63: {  	s30 =	sadd.s32 $0x1400, s29;
	[sflag:s20] =	ssyncadd.s32 $0xFFFFC000  }
0x64: {  	[spmem:s2] =	stream.indirect.scatter.add.f32 [tilespmem:s16], [sflag:$0x3], $0x80, s30, s19, $0xb8;
	[tilespmem:$0x1E400] =	vst v63  }
0x65: {  	_ =	swait.ge [sflag:s25], $0x4000  }
0x66: {  	[sflag:s25] =	ssyncset.done $0x0  }
.Ltmp1:
0x67: {  	s30 =	sadd.s32 $0x2880, s29;
	[sflag:s25] =	ssyncadd.s32 $0xFFFFC000;
	(pc) =	sbr.rel @p0 .LBB2_4-.Ltmp1, $4  }
0x68: {  	[tilespmem:s22], [sflag:$0x2] =	stream.indirect.gather [hbm4b:s4+s19], $0x80, s30, s19, $0xb8;
	[tilespmem:$0x1E400] =	vst v63  }
0x69: {  	_ =	swait.ge [sflag:s23], $0x4000  }
0x6a: {  	[sflag:s23] =	ssyncset.done $0x0  }
0x6b: {  	s29 =	sadd.s32 $0x1480, s29;
	[sflag:s23] =	ssyncadd.s32 $0xFFFFC000  }
0x6c: {  	[spmem:s2] =	stream.indirect.scatter.add.f32 [tilespmem:s22], [sflag:$0x4], $0x80, s29, s19, $0xb8;
	[tilespmem:$0x1E400] =	vst v63  }
0x6d: {  	_ =	swait.ge [sflag:s24], $0x4000  }
0x6e: {  	[sflag:s24] =	ssyncset.done $0x0  }
0x6f: {  	[sflag:s24] =	ssyncadd.s32 $0xFFFFC000  }
0x70: {  	_ =	swait.ge [sflag:s25], $0x4000  }
0x71: {  	[sflag:s25] =	ssyncset.done $0x0  }
0x72: {  	[sflag:s25] =	ssyncadd.s32 $0xFFFFC000  }
0x73: {  	[tilespmem:s3], [sflag:$0x5] =	stream.linear.gather [hbm4b:s12+s3], $0x1400, $0x38;
	[tilespmem:$0x1E400] =	vst v63  }
0x74: {  	_ =	swait.ge [sflag:s17], $0x1400  }
0x75: {  	[sflag:s17] =	ssyncset.done $0x0  }
0x76: {  	[sflag:s17] =	ssyncadd.s32 $0xFFFFEC00  }
0x77: {  	[tilespmem:s18], [sflag:$0x5] =	stream.linear.gather [hbm4b:s13+s3], $0x1400, $0x38;
	[tilespmem:$0x1E400] =	vst v63  }
0x78: {  	_ =	swait.ge [sflag:s17], $0x1400  }
0x79: {  	[sflag:s17] =	ssyncset.done $0x0  }
0x7a: {  	[sflag:s17] =	ssyncadd.s32 $0xFFFFEC00  }
0x7b: {  	[tilespmem:s16], [sflag:$0x1] =	stream.indirect.gather [hbm4b:s4+s19], $0x80, s18, s19, $0xb8;
	[tilespmem:$0x1E400] =	vst v63  }
0x7c: {  	_ =	swait.ge [sflag:s20], $0x4000  }
0x7d: {  	[sflag:s20] =	ssyncset.done $0x0  }
0x7e: {  	[sflag:s20] =	ssyncadd.s32 $0xFFFFC000  }
0x7f: {  	[spmem:s2] =	stream.indirect.scatter.add.f32 [tilespmem:s16], [sflag:$0x3], $0x80, s3, s19, $0xb8;
	[tilespmem:$0x1E400] =	vst v63  }
0x80: {  	_ = 	snop  }
0x81: {  	[tilespmem:s22], [sflag:$0x2] =	stream.indirect.gather [hbm4b:s4+s19], $0x80, s21, s19, $0xb8;
	[tilespmem:$0x1E400] =	vst v63  }
0x82: {  	_ =	swait.ge [sflag:s23], $0x4000  }
0x83: {  	[sflag:s23] =	ssyncset.done $0x0  }
0x84: {  	[sflag:s23] =	ssyncadd.s32 $0xFFFFC000  }
0x85: {  	[spmem:s2] =	stream.indirect.scatter.add.f32 [tilespmem:s22], [sflag:$0x4], $0x80, s19, s19, $0xb8;
	[tilespmem:$0x1E400] =	vst v63  }
0x86: {  	_ =	swait.ge [sflag:s24], $0x4000  }
0x87: {  	[sflag:s24] =	ssyncset.done $0x0  }
0x88: {  	s28 =	simm.s32 $0x1500;
	[sflag:s24] =	ssyncadd.s32 $0xFFFFC000  }
0x89: {  	[tilespmem:s16], [sflag:$0x1] =	stream.indirect.gather [hbm4b:s4+s19], $0x80, s28, s19, $0xb8;
	[tilespmem:$0x1E400] =	vst v63  }
0x8a: {  	_ =	swait.ge [sflag:s20], $0x4000  }
0x8b: {  	[sflag:s20] =	ssyncset.done $0x0  }
0x8c: {  	s28 =	simm.s32 $0x100;
	[sflag:s20] =	ssyncadd.s32 $0xFFFFC000  }
0x8d: {  	[spmem:s2] =	stream.indirect.scatter.add.f32 [tilespmem:s16], [sflag:$0x3], $0x80, s28, s19, $0xb8;
	[tilespmem:$0x1E400] =	vst v63  }
0x8e: {  	_ =	swait.ge [sflag:s25], $0x4000  }
0x8f: {  	[sflag:s25] =	ssyncset.done $0x0  }
0x90: {  	s28 =	simm.s32 $0x1580;
	[sflag:s25] =	ssyncadd.s32 $0xFFFFC000  }
0x91: {  	[tilespmem:s22], [sflag:$0x2] =	stream.indirect.gather [hbm4b:s4+s19], $0x80, s28, s19, $0xb8;
	[tilespmem:$0x1E400] =	vst v63  }
0x92: {  	_ =	swait.ge [sflag:s23], $0x4000  }
0x93: {  	[sflag:s23] =	ssyncset.done $0x0  }
0x94: {  	s29 =	simm.s32 $0x180;
	s28 =	simm.s32 $0xFFFFB800;
	[sflag:s23] =	ssyncadd.s32 $0xFFFFC000  }
.LBB2_6:
0x95: {  	[spmem:s2] =	stream.indirect.scatter.add.f32 [tilespmem:s22], [sflag:$0x4], $0x80, s29, s19, $0xb8;
	[tilespmem:$0x1E400] =	vst v63  }
0x96: {  	s29 =	smov.u32 s28  }
0x97: {  	p0 =	sne.s32 s28, $0xFFFFFC00;
	s28 =	sadd.s32 $0x400, s28;
	_ =	swait.ge [sflag:s24], $0x4000  }
0x98: {  	s29 =	sshra.s32 s29, $0x2;
	[sflag:s24] =	ssyncset.done $0x0  }
0x99: {  	s30 =	sadd.s32 $0x2800, s29;
	[sflag:s24] =	ssyncadd.s32 $0xFFFFC000  }
0x9a: {  	[tilespmem:s16], [sflag:$0x1] =	stream.indirect.gather [hbm4b:s4+s19], $0x80, s30, s19, $0xb8;
	[tilespmem:$0x1E400] =	vst v63  }
0x9b: {  	_ =	swait.ge [sflag:s20], $0x4000  }
0x9c: {  	[sflag:s20] =	ssyncset.done $0x0  }
0x9d: {  	s30 =	sadd.s32 $0x1400, s29;
	[sflag:s20] =	ssyncadd.s32 $0xFFFFC000  }
0x9e: {  	[spmem:s2] =	stream.indirect.scatter.add.f32 [tilespmem:s16], [sflag:$0x3], $0x80, s30, s19, $0xb8;
	[tilespmem:$0x1E400] =	vst v63  }
0x9f: {  	_ =	swait.ge [sflag:s25], $0x4000  }
0xa0: {  	[sflag:s25] =	ssyncset.done $0x0  }
.Ltmp2:
0xa1: {  	s30 =	sadd.s32 $0x2880, s29;
	[sflag:s25] =	ssyncadd.s32 $0xFFFFC000;
	(pc) =	sbr.rel @p0 .LBB2_6-.Ltmp2, $4  }
0xa2: {  	[tilespmem:s22], [sflag:$0x2] =	stream.indirect.gather [hbm4b:s4+s19], $0x80, s30, s19, $0xb8;
	[tilespmem:$0x1E400] =	vst v63  }
0xa3: {  	_ =	swait.ge [sflag:s23], $0x4000  }
0xa4: {  	[sflag:s23] =	ssyncset.done $0x0  }
0xa5: {  	s29 =	sadd.s32 $0x1480, s29;
	[sflag:s23] =	ssyncadd.s32 $0xFFFFC000  }
0xa6: {  	[spmem:s2] =	stream.indirect.scatter.add.f32 [tilespmem:s22], [sflag:$0x4], $0x80, s29, s19, $0xb8;
	[tilespmem:$0x1E400] =	vst v63  }
0xa7: {  	_ =	swait.ge [sflag:s24], $0x4000  }
0xa8: {  	[sflag:s24] =	ssyncset.done $0x0  }
0xa9: {  	[sflag:s24] =	ssyncadd.s32 $0xFFFFC000  }
0xaa: {  	_ =	swait.ge [sflag:s25], $0x4000  }
0xab: {  	s28 =	sshll.u32 s1, $0x6;
	s26 =	sadd.s32 $0x1, s26;
	[sflag:s25] =	ssyncset.done $0x0  }
0xac: {  	s31 =	sshrl.u32 s5, $0x3;
	p0 =	sne.s32 s26, s15;
	[sflag:s25] =	ssyncadd.s32 $0xFFFFC000  }
.Ltmp3:
0xad: {  	s28 =	sor.u32 $0x1C05, s28;
	[bflag:$0x0] =	sbarrier.arrive $0xFFFF;
	(pc) =	sbr.rel @p0 .LBB2_1-.Ltmp3, $4  }
0xae: {  	[hbm:s14], [sflag:s28] =	dma.local [spmem:s31], $0x2780  }
0xaf: {  	_ =	swait.ge [sflag:s17], $0x2780  }
0xb0: {  	[sflag:s17] =	ssyncset.done $0x0  }
0xb1: {  	[sflag:s17] =	ssyncadd.s32 $0xFFFFD880  }
0xb2: {  	_ =	sfence.sel $0x180000  }
0xb3: {  	[bflag:$0x0] =	sbarrier.arrive $0xFFFF  }
0xb4: {  	p0 =	sne.s32 s1, $0x0;
	_ =	strace $0x9000004A  }
0xb5: {  	s0 =	sadd.s32 @!p0 $0x100000, s0;
	[bflag:$0x2] =	sbarrier.arrive $0xFFFF  }
0xb6: {  	[sflag:s0] =	ssyncadd.tile.s32 @!p0 $0x1;
	_ =	shalt  }
.Lfunc_end2:
_tile_overlayer_lowered:
.L_overlay_start_2:
0xb7: {  	(tag) =	ssettag $0x2  }
0xb8: {  	s0 =	rddreg [dreg:$0x0];
	s2 =	stileid.u32  }
0xb9: {  	s1 =	rddreg [dreg:$0x1];
	p0 =	sne.s32 s2, $0x0  }
0xba: {  	s3 =	rddreg [dreg:$0x2];
	[bflag:$0x3] =	sbarrier.arrive $0xFFFF;
	s2 =	simm.s32 @!p0 $0x1C05  }
0xbb: {  	[timem:s3], [sflag:s2] =	dma.local @!p0 [hbm:s0], s1  }
0xbc: {  	s0 =	simm.s32 @!p0 $0x5  }
0xbd: {  	_ =	swait.ge @!p0 [sflag:s0], s1  }
0xbe: {  	s1 =	ssub.s32 @!p0 $0x0, s1;
	[sflag:s0] =	ssyncset.done @!p0 $0x0  }
0xbf: {  	[sflag:s0] =	ssyncadd.s32 @!p0 s1  }
0xc0: {  	[bflag:$0x3] =	sbarrier.arrive $0xFFFF  }
0xc1: {  	_ =	shalt  }

</sc_bundles>
